<compile_context>
chip_gen: v7x
topology: tpu7x:2x2x1
jax: 0.10.2.dev20260603
libtpu: 0.0.44.dev20260713+nightly
codegen_flags: <defaults>
</compile_context>

<pallas_src>
import jax
import jax.numpy as jnp
from jax import lax
from jax.experimental import pallas as pl
from jax.experimental.pallas import tpu as pltpu
from jax.experimental.pallas import tpu_sc as plsc

B, T, N, F_IN, F_OUT, DEG = 32, 12, 325, 64, 64, 16
BT = B * T
FA = 80
NC, NS = 2, 16
NW = NC * NS
BT_PER = BT // NW
ROWS = BT * N
RB = 2600


def _tc_body(h_ref, w_ref, tab_ref):
    tab_ref[...] = jnp.dot(h_ref[...], w_ref[...],
                           preferred_element_type=jnp.float32)


def _sc_body(tab_hbm, adj_hbm, out_hbm, adj_v, tab_v, out_v):
    cid = lax.axis_index("c")
    sid = lax.axis_index("s")
    wid = sid * NC + cid
    pltpu.sync_copy(adj_hbm, adj_v)
    col_s2 = jnp.full((16,), F_OUT, jnp.int32)

    def bt_body(k, carry):
        bt = wid * BT_PER + k
        pltpu.sync_copy(tab_hbm.at[bt], tab_v)

        def node_body(i, carry2):
            nbr = adj_v[i, :]
            svals = plsc.load_gather(tab_v, [nbr, col_s2])
            m = jnp.max(svals)
            ex = jnp.exp(svals - m)
            alpha = ex / jnp.sum(ex)
            accs = [jnp.zeros((16,), jnp.float32) for _ in range(4)]
            for j in range(DEG):
                aj = alpha[j]
                ij = nbr[j]
                for cb in range(4):
                    accs[cb] = accs[cb] + aj * tab_v[ij, pl.ds(cb * 16, 16)]
            for cb in range(4):
                out_v[i, pl.ds(cb * 16, 16)] = accs[cb]
            return carry2

        lax.fori_loop(0, N, node_body, 0)
        pltpu.sync_copy(out_v, out_hbm.at[bt])
        return carry

    lax.fori_loop(0, BT_PER, bt_body, 0)


def kernel(h, adj, W, a):
    h2 = h.reshape(ROWS, F_IN)
    wT = W.T
    a2 = a[F_OUT:]
    waug = jnp.concatenate(
        [wT, (wT @ a2)[:, None], jnp.zeros((F_IN, FA - F_OUT - 1), jnp.float32)],
        axis=1)

    tab = pl.pallas_call(
        _tc_body,
        grid=(ROWS // RB,),
        in_specs=[
            pl.BlockSpec((RB, F_IN), lambda i: (i, 0)),
            pl.BlockSpec((F_IN, FA), lambda i: (0, 0)),
        ],
        out_specs=pl.BlockSpec((RB, FA), lambda i: (i, 0)),
        out_shape=jax.ShapeDtypeStruct((ROWS, FA), jnp.float32),
    )(h2, waug)

    sc_fn = pl.kernel(
        _sc_body,
        out_type=jax.ShapeDtypeStruct((BT, N, F_OUT), jnp.float32),
        mesh=plsc.VectorSubcoreMesh(core_axis_name="c", subcore_axis_name="s",
                                    num_cores=NC, num_subcores=NS),
        compiler_params=pltpu.CompilerParams(needs_layout_passes=False),
        scratch_types=[
            pltpu.VMEM((N, DEG), jnp.int32),
            pltpu.VMEM((N, FA), jnp.float32),
            pltpu.VMEM((N, F_OUT), jnp.float32),
        ],
    )
    outp = sc_fn(tab.reshape(BT, N, FA), adj)
    return outp.reshape(B, T, N, F_OUT)

# --- scband reference (transcript-rebuilt; emitter-appended) ---
"""Pipeline reference for scband-gatlayer-87840671138247 (READ-ONLY COPY).

The authoritative reference and input builder live on the scoring server;
editing this copy changes nothing except your own understanding.
"""

import jax, jax.numpy as jnp
import numpy as np

B, T, N, F_IN, F_OUT, DEG = 32, 12, 325, 64, 64, 16

def setup_inputs(seed: int = 0) -> dict:
    key = jax.random.key(seed)
    k1, k2, k3, k4 = jax.random.split(key, 4)
    h = jax.random.normal(k1, (B, T, N, F_IN), dtype=jnp.float32)
    adj = jax.random.randint(k2, (N, DEG), 0, N, dtype=jnp.int32)
    W = jax.random.normal(k3, (F_OUT, F_IN), dtype=jnp.float32) * 0.1
    a = jax.random.normal(k4, (2 * F_OUT,), dtype=jnp.float32) * 0.1
    return {"h": h, "adj": adj, "W": W, "a": a}

def reference(h, adj, W, a):
    # hh = linear(h, W) = h @ W.T, shape [B, T, N, F_OUT]
    hh = jnp.einsum('btnf,of->btno', h, W)
    # gather neighbor features: hhj[b,t,i,j,:] = hh[b,t,adj[i,j],:]
    hhj = hh[:, :, adj, :]                              # [B, T, N, DEG, F_OUT]
    # replicate center node feature across its neighbors
    hhi = jnp.broadcast_to(hh[:, :, :, None, :], hhj.shape)  # [B, T, N, DEG, F_OUT]
    hhij = jnp.concatenate([hhi, hhj], axis=-1)         # [B, T, N, DEG, 2*F_OUT]
    # attention logits e = hhij @ a, per node over its DEG neighbors
    e = jnp.einsum('btndk,k->btnd', hhij, a)            # [B, T, N, DEG]
    alpha = jax.nn.softmax(e, axis=-1)                  # softmax over neighbors (matches dim=2 per-node softmax)
    output = jnp.sum(hhj * alpha[..., None], axis=3)    # [B, T, N, F_OUT]
    return output

if __name__ == "__main__":
    import jax
    _d = setup_inputs()
    print(jax.jit(kernel)(*tuple(_d.values())))

</pallas_src>

<mosaic_0001>
#map = affine_map<(d0, d1) -> (0, 0, 0)>
#map1 = affine_map<(d0, d1) -> (0, 0)>
module attributes {stable_mosaic.version = 14 : i64} {
  func.func @_sc_body(%arg0: i32, %arg1: i32, %arg2: memref<384x325x80xf32, #tpu.memory_space<hbm>>, %arg3: memref<325x16xi32, #tpu.memory_space<hbm>>, %arg4: memref<384x325x64xf32, #tpu.memory_space<hbm>>, %arg5: memref<325x16xi32, #tpu.memory_space<vmem>>, %arg6: memref<325x80xf32, #tpu.memory_space<vmem>>, %arg7: memref<325x64xf32, #tpu.memory_space<vmem>>) attributes {dimension_semantics = [#tpu.dimension_semantics<core_parallel>, #tpu.dimension_semantics<subcore_parallel>], iteration_bounds = array<i64: 2, 16>, scalar_prefetch = 0 : i64, scratch_operands = 3 : i64, tpu.core_type = #tpu.core_type<sc_vector_subcore>, window_params = [{transform_indices = #map}, {transform_indices = #map1}, {transform_indices = #map}]} {
    %mul3A = arith.constant 2 : i32
    %mul3A_0 = arith.muli %arg1, %mul3A : i32
    %add3A = arith.addi %mul3A_0, %arg0 : i32
    "tpu.region"() ({
      %run_scoped3A = tpu.sem_alloc : memref<!tpu.dma_semaphore, #tpu.memory_space<semaphore_mem>>
      tpu.enqueue_dma source(%arg3 : memref<325x16xi32, #tpu.memory_space<hbm>>) target(%arg5 : memref<325x16xi32, #tpu.memory_space<vmem>>) target_semaphore(%run_scoped3A : memref<!tpu.dma_semaphore, #tpu.memory_space<semaphore_mem>>)
      tpu.wait_dma2 semaphore(%run_scoped3A : memref<!tpu.dma_semaphore, #tpu.memory_space<semaphore_mem>>) src(%arg3 : memref<325x16xi32, #tpu.memory_space<hbm>>) dst(%arg5 : memref<325x16xi32, #tpu.memory_space<vmem>>)
      tpu.yield
    }) : () -> ()
    %broadcast_in_dim3A = arith.constant 64 : i32
    %broadcast_in_dim3A_1 = vector.broadcast %broadcast_in_dim3A : i32 to vector<16xi32>
    %scan3A = arith.constant 0 : i32
    %scan3A_2 = arith.constant 0 : i32
    %scan3A_3 = arith.constant 12 : i32
    %scan3A_4 = arith.addi %scan3A_2, %scan3A_3 : i32
    %scan3A_5 = arith.constant 1 : i32
    scf.for %scan3A_7 = %scan3A_2 to %scan3A_4 step %scan3A_5  : i32 {
      %mul3A_8 = arith.constant 12 : i32
      %mul3A_9 = arith.muli %add3A, %mul3A_8 : i32
      %add3A_10 = arith.addi %mul3A_9, %scan3A_7 : i32
      "tpu.region"() ({
        %run_scoped3A = tpu.sem_alloc : memref<!tpu.dma_semaphore, #tpu.memory_space<semaphore_mem>>
        %dma_start3A = arith.constant 0 : i32
        %dma_start3A_17 = arith.constant 0 : i32
        %dma_start3A_18 = tpu.memref_slice %arg2[%add3A_10, %dma_start3A, %dma_start3A_17] : memref<384x325x80xf32, #tpu.memory_space<hbm>> -> memref<1x325x80xf32, #tpu.memory_space<hbm>>
        %dma_start3A_19 = tpu.memref_squeeze %dma_start3A_18 : memref<1x325x80xf32, #tpu.memory_space<hbm>> -> memref<325x80xf32, #tpu.memory_space<hbm>>
        %dma_start3A_20 = arith.constant 0 : i32
        %dma_start3A_21 = arith.constant 0 : i32
        %dma_start3A_22 = tpu.memref_slice %arg2[%add3A_10, %dma_start3A_20, %dma_start3A_21] : memref<384x325x80xf32, #tpu.memory_space<hbm>> -> memref<1x325x80xf32, #tpu.memory_space<hbm>>
        %dma_start3A_23 = tpu.memref_squeeze %dma_start3A_22 : memref<1x325x80xf32, #tpu.memory_space<hbm>> -> memref<325x80xf32, #tpu.memory_space<hbm>>
        tpu.enqueue_dma source(%dma_start3A_23 : memref<325x80xf32, #tpu.memory_space<hbm>>) target(%arg6 : memref<325x80xf32, #tpu.memory_space<vmem>>) target_semaphore(%run_scoped3A : memref<!tpu.dma_semaphore, #tpu.memory_space<semaphore_mem>>)
        %dma_wait3A = arith.constant 0 : i32
        %dma_wait3A_24 = arith.constant 0 : i32
        %dma_wait3A_25 = tpu.memref_slice %arg2[%add3A_10, %dma_wait3A, %dma_wait3A_24] : memref<384x325x80xf32, #tpu.memory_space<hbm>> -> memref<1x325x80xf32, #tpu.memory_space<hbm>>
        %dma_wait3A_26 = tpu.memref_squeeze %dma_wait3A_25 : memref<1x325x80xf32, #tpu.memory_space<hbm>> -> memref<325x80xf32, #tpu.memory_space<hbm>>
        %dma_wait3A_27 = arith.constant 0 : i32
        %dma_wait3A_28 = arith.constant 0 : i32
        %dma_wait3A_29 = tpu.memref_slice %arg2[%add3A_10, %dma_wait3A_27, %dma_wait3A_28] : memref<384x325x80xf32, #tpu.memory_space<hbm>> -> memref<1x325x80xf32, #tpu.memory_space<hbm>>
        %dma_wait3A_30 = tpu.memref_squeeze %dma_wait3A_29 : memref<1x325x80xf32, #tpu.memory_space<hbm>> -> memref<325x80xf32, #tpu.memory_space<hbm>>
        tpu.wait_dma2 semaphore(%run_scoped3A : memref<!tpu.dma_semaphore, #tpu.memory_space<semaphore_mem>>) src(%dma_wait3A_30 : memref<325x80xf32, #tpu.memory_space<hbm>>) dst(%arg6 : memref<325x80xf32, #tpu.memory_space<vmem>>)
        tpu.yield
      }) : () -> ()
      %scan3A_11 = arith.constant 0 : i32
      %scan3A_12 = arith.constant 0 : i32
      %scan3A_13 = arith.constant 325 : i32
      %scan3A_14 = arith.addi %scan3A_12, %scan3A_13 : i32
      %scan3A_15 = arith.constant 1 : i32
      scf.for %scan3A_17 = %scan3A_12 to %scan3A_14 step %scan3A_15  : i32 {
        %get3A = arith.index_cast %scan3A_17 : i32 to index
        %get3A_18 = arith.constant 0 : index
        %get3A_19 = tpu.vector_load %arg5[%get3A, %get3A_18] {strides = array<i32>} : memref<325x16xi32, #tpu.memory_space<vmem>>, vector<16xi32>,
        %gather3A = tpu.vector_load_idx %arg6[%get3A_19, %broadcast_in_dim3A_1] : memref<325x80xf32, #tpu.memory_space<vmem>>[vector<16xi32>, vector<16xi32>], vector<16xf32>,
        %reduce_max3A = arith.constant true
        %reduce_max3A_20 = vector.broadcast %reduce_max3A : i1 to vector<16xi1>
        %reduce_max3A_21 = tpu.scan <max>, %gather3A masked %reduce_max3A_20 : vector<16xf32>, vector<16xi1> -> vector<16xf32>
        %reduce_max3A_22 = vector.extract %reduce_max3A_21[15] : f32 from vector<16xf32>
        %sub3A = vector.broadcast %reduce_max3A_22 : f32 to vector<16xf32>
        %sub3A_23 = arith.subf %gather3A, %sub3A : vector<16xf32>
        %exp3A = math.exp %sub3A_23 : vector<16xf32>
        %reduce_sum3A = arith.constant true
        %reduce_sum3A_24 = vector.broadcast %reduce_sum3A : i1 to vector<16xi1>
        %reduce_sum3A_25 = tpu.scan <sum>, %exp3A masked %reduce_sum3A_24 : vector<16xf32>, vector<16xi1> -> vector<16xf32>
        %reduce_sum3A_26 = vector.extract %reduce_sum3A_25[15] : f32 from vector<16xf32>
        %div3A = vector.broadcast %reduce_sum3A_26 : f32 to vector<16xf32>
        %div3A_27 = arith.divf %exp3A, %div3A : vector<16xf32>
        %broadcast_in_dim3A_28 = arith.constant 0.000000e+00 : f32
        %broadcast_in_dim3A_29 = vector.broadcast %broadcast_in_dim3A_28 : f32 to vector<16xf32>
        %broadcast_in_dim3A_30 = arith.constant 0.000000e+00 : f32
        %broadcast_in_dim3A_31 = vector.broadcast %broadcast_in_dim3A_30 : f32 to vector<16xf32>
        %broadcast_in_dim3A_32 = arith.constant 0.000000e+00 : f32
        %broadcast_in_dim3A_33 = vector.broadcast %broadcast_in_dim3A_32 : f32 to vector<16xf32>
        %broadcast_in_dim3A_34 = arith.constant 0.000000e+00 : f32
        %broadcast_in_dim3A_35 = vector.broadcast %broadcast_in_dim3A_34 : f32 to vector<16xf32>
        %slice3A = vector.extract_strided_slice %div3A_27 {offsets = [0], sizes = [1], strides = [1]} : vector<16xf32> to vector<1xf32>
        %squeeze3A = vector.extract %slice3A[0] : f32 from vector<1xf32>
        %slice3A_36 = vector.extract_strided_slice %get3A_19 {offsets = [0], sizes = [1], strides = [1]} : vector<16xi32> to vector<1xi32>
        %squeeze3A_37 = vector.extract %slice3A_36[0] : i32 from vector<1xi32>
        %get3A_38 = arith.index_cast %squeeze3A_37 : i32 to index
        %get3A_39 = arith.constant 0 : index
        %get3A_40 = tpu.vector_load %arg6[%get3A_38, %get3A_39] {strides = array<i32>} : memref<325x80xf32, #tpu.memory_space<vmem>>, vector<16xf32>,
        %mul3A_41 = vector.broadcast %squeeze3A : f32 to vector<16xf32>
        %mul3A_42 = arith.mulf %mul3A_41, %get3A_40 : vector<16xf32>
        %add3A_43 = arith.addf %broadcast_in_dim3A_29, %mul3A_42 : vector<16xf32>
        %get3A_44 = arith.index_cast %squeeze3A_37 : i32 to index
        %get3A_45 = arith.constant 16 : index
        %get3A_46 = tpu.vector_load %arg6[%get3A_44, %get3A_45] {strides = array<i32>} : memref<325x80xf32, #tpu.memory_space<vmem>>, vector<16xf32>,
        %mul3A_47 = vector.broadcast %squeeze3A : f32 to vector<16xf32>
        %mul3A_48 = arith.mulf %mul3A_47, %get3A_46 : vector<16xf32>
        %add3A_49 = arith.addf %broadcast_in_dim3A_31, %mul3A_48 : vector<16xf32>
        %get3A_50 = arith.index_cast %squeeze3A_37 : i32 to index
        %get3A_51 = arith.constant 32 : index
        %get3A_52 = tpu.vector_load %arg6[%get3A_50, %get3A_51] {strides = array<i32>} : memref<325x80xf32, #tpu.memory_space<vmem>>, vector<16xf32>,
        %mul3A_53 = vector.broadcast %squeeze3A : f32 to vector<16xf32>
        %mul3A_54 = arith.mulf %mul3A_53, %get3A_52 : vector<16xf32>
        %add3A_55 = arith.addf %broadcast_in_dim3A_33, %mul3A_54 : vector<16xf32>
        %get3A_56 = arith.index_cast %squeeze3A_37 : i32 to index
        %get3A_57 = arith.constant 48 : index
        %get3A_58 = tpu.vector_load %arg6[%get3A_56, %get3A_57] {strides = array<i32>} : memref<325x80xf32, #tpu.memory_space<vmem>>, vector<16xf32>,
        %mul3A_59 = vector.broadcast %squeeze3A : f32 to vector<16xf32>
        %mul3A_60 = arith.mulf %mul3A_59, %get3A_58 : vector<16xf32>
        %add3A_61 = arith.addf %broadcast_in_dim3A_35, %mul3A_60 : vector<16xf32>
        %slice3A_62 = vector.extract_strided_slice %div3A_27 {offsets = [1], sizes = [1], strides = [1]} : vector<16xf32> to vector<1xf32>
        %squeeze3A_63 = vector.extract %slice3A_62[0] : f32 from vector<1xf32>
        %slice3A_64 = vector.extract_strided_slice %get3A_19 {offsets = [1], sizes = [1], strides = [1]} : vector<16xi32> to vector<1xi32>
        %squeeze3A_65 = vector.extract %slice3A_64[0] : i32 from vector<1xi32>
        %get3A_66 = arith.index_cast %squeeze3A_65 : i32 to index
        %get3A_67 = arith.constant 0 : index
        %get3A_68 = tpu.vector_load %arg6[%get3A_66, %get3A_67] {strides = array<i32>} : memref<325x80xf32, #tpu.memory_space<vmem>>, vector<16xf32>,
        %mul3A_69 = vector.broadcast %squeeze3A_63 : f32 to vector<16xf32>
        %mul3A_70 = arith.mulf %mul3A_69, %get3A_68 : vector<16xf32>
        %add3A_71 = arith.addf %add3A_43, %mul3A_70 : vector<16xf32>
        %get3A_72 = arith.index_cast %squeeze3A_65 : i32 to index
        %get3A_73 = arith.constant 16 : index
        %get3A_74 = tpu.vector_load %arg6[%get3A_72, %get3A_73] {strides = array<i32>} : memref<325x80xf32, #tpu.memory_space<vmem>>, vector<16xf32>,
        %mul3A_75 = vector.broadcast %squeeze3A_63 : f32 to vector<16xf32>
        %mul3A_76 = arith.mulf %mul3A_75, %get3A_74 : vector<16xf32>
        %add3A_77 = arith.addf %add3A_49, %mul3A_76 : vector<16xf32>
        %get3A_78 = arith.index_cast %squeeze3A_65 : i32 to index
        %get3A_79 = arith.constant 32 : index
        %get3A_80 = tpu.vector_load %arg6[%get3A_78, %get3A_79] {strides = array<i32>} : memref<325x80xf32, #tpu.memory_space<vmem>>, vector<16xf32>,
        %mul3A_81 = vector.broadcast %squeeze3A_63 : f32 to vector<16xf32>
        %mul3A_82 = arith.mulf %mul3A_81, %get3A_80 : vector<16xf32>
        %add3A_83 = arith.addf %add3A_55, %mul3A_82 : vector<16xf32>
        %get3A_84 = arith.index_cast %squeeze3A_65 : i32 to index
        %get3A_85 = arith.constant 48 : index
        %get3A_86 = tpu.vector_load %arg6[%get3A_84, %get3A_85] {strides = array<i32>} : memref<325x80xf32, #tpu.memory_space<vmem>>, vector<16xf32>,
        %mul3A_87 = vector.broadcast %squeeze3A_63 : f32 to vector<16xf32>
        %mul3A_88 = arith.mulf %mul3A_87, %get3A_86 : vector<16xf32>
        %add3A_89 = arith.addf %add3A_61, %mul3A_88 : vector<16xf32>
        %slice3A_90 = vector.extract_strided_slice %div3A_27 {offsets = [2], sizes = [1], strides = [1]} : vector<16xf32> to vector<1xf32>
        %squeeze3A_91 = vector.extract %slice3A_90[0] : f32 from vector<1xf32>
        %slice3A_92 = vector.extract_strided_slice %get3A_19 {offsets = [2], sizes = [1], strides = [1]} : vector<16xi32> to vector<1xi32>
        %squeeze3A_93 = vector.extract %slice3A_92[0] : i32 from vector<1xi32>
        %get3A_94 = arith.index_cast %squeeze3A_93 : i32 to index
        %get3A_95 = arith.constant 0 : index
        %get3A_96 = tpu.vector_load %arg6[%get3A_94, %get3A_95] {strides = array<i32>} : memref<325x80xf32, #tpu.memory_space<vmem>>, vector<16xf32>,
        %mul3A_97 = vector.broadcast %squeeze3A_91 : f32 to vector<16xf32>
        %mul3A_98 = arith.mulf %mul3A_97, %get3A_96 : vector<16xf32>
        %add3A_99 = arith.addf %add3A_71, %mul3A_98 : vector<16xf32>
        %get3A_100 = arith.index_cast %squeeze3A_93 : i32 to index
        %get3A_101 = arith.constant 16 : index
        %get3A_102 = tpu.vector_load %arg6[%get3A_100, %get3A_101] {strides = array<i32>} : memref<325x80xf32, #tpu.memory_space<vmem>>, vector<16xf32>,
        %mul3A_103 = vector.broadcast %squeeze3A_91 : f32 to vector<16xf32>
        %mul3A_104 = arith.mulf %mul3A_103, %get3A_102 : vector<16xf32>
        %add3A_105 = arith.addf %add3A_77, %mul3A_104 : vector<16xf32>
        %get3A_106 = arith.index_cast %squeeze3A_93 : i32 to index
        %get3A_107 = arith.constant 32 : index
        %get3A_108 = tpu.vector_load %arg6[%get3A_106, %get3A_107] {strides = array<i32>} : memref<325x80xf32, #tpu.memory_space<vmem>>, vector<16xf32>,
        %mul3A_109 = vector.broadcast %squeeze3A_91 : f32 to vector<16xf32>
        %mul3A_110 = arith.mulf %mul3A_109, %get3A_108 : vector<16xf32>
        %add3A_111 = arith.addf %add3A_83, %mul3A_110 : vector<16xf32>
        %get3A_112 = arith.index_cast %squeeze3A_93 : i32 to index
        %get3A_113 = arith.constant 48 : index
        %get3A_114 = tpu.vector_load %arg6[%get3A_112, %get3A_113] {strides = array<i32>} : memref<325x80xf32, #tpu.memory_space<vmem>>, vector<16xf32>,
        %mul3A_115 = vector.broadcast %squeeze3A_91 : f32 to vector<16xf32>
        %mul3A_116 = arith.mulf %mul3A_115, %get3A_114 : vector<16xf32>
        %add3A_117 = arith.addf %add3A_89, %mul3A_116 : vector<16xf32>
        %slice3A_118 = vector.extract_strided_slice %div3A_27 {offsets = [3], sizes = [1], strides = [1]} : vector<16xf32> to vector<1xf32>
        %squeeze3A_119 = vector.extract %slice3A_118[0] : f32 from vector<1xf32>
        %slice3A_120 = vector.extract_strided_slice %get3A_19 {offsets = [3], sizes = [1], strides = [1]} : vector<16xi32> to vector<1xi32>
        %squeeze3A_121 = vector.extract %slice3A_120[0] : i32 from vector<1xi32>
        %get3A_122 = arith.index_cast %squeeze3A_121 : i32 to index
        %get3A_123 = arith.constant 0 : index
        %get3A_124 = tpu.vector_load %arg6[%get3A_122, %get3A_123] {strides = array<i32>} : memref<325x80xf32, #tpu.memory_space<vmem>>, vector<16xf32>,
        %mul3A_125 = vector.broadcast %squeeze3A_119 : f32 to vector<16xf32>
        %mul3A_126 = arith.mulf %mul3A_125, %get3A_124 : vector<16xf32>
        %add3A_127 = arith.addf %add3A_99, %mul3A_126 : vector<16xf32>
        %get3A_128 = arith.index_cast %squeeze3A_121 : i32 to index
        %get3A_129 = arith.constant 16 : index
        %get3A_130 = tpu.vector_load %arg6[%get3A_128, %get3A_129] {strides = array<i32>} : memref<325x80xf32, #tpu.memory_space<vmem>>, vector<16xf32>,
        %mul3A_131 = vector.broadcast %squeeze3A_119 : f32 to vector<16xf32>
        %mul3A_132 = arith.mulf %mul3A_131, %get3A_130 : vector<16xf32>
        %add3A_133 = arith.addf %add3A_105, %mul3A_132 : vector<16xf32>
        %get3A_134 = arith.index_cast %squeeze3A_121 : i32 to index
        %get3A_135 = arith.constant 32 : index
        %get3A_136 = tpu.vector_load %arg6[%get3A_134, %get3A_135] {strides = array<i32>} : memref<325x80xf32, #tpu.memory_space<vmem>>, vector<16xf32>,
        %mul3A_137 = vector.broadcast %squeeze3A_119 : f32 to vector<16xf32>
        %mul3A_138 = arith.mulf %mul3A_137, %get3A_136 : vector<16xf32>
        %add3A_139 = arith.addf %add3A_111, %mul3A_138 : vector<16xf32>
        %get3A_140 = arith.index_cast %squeeze3A_121 : i32 to index
        %get3A_141 = arith.constant 48 : index
        %get3A_142 = tpu.vector_load %arg6[%get3A_140, %get3A_141] {strides = array<i32>} : memref<325x80xf32, #tpu.memory_space<vmem>>, vector<16xf32>,
        %mul3A_143 = vector.broadcast %squeeze3A_119 : f32 to vector<16xf32>
        %mul3A_144 = arith.mulf %mul3A_143, %get3A_142 : vector<16xf32>
        %add3A_145 = arith.addf %add3A_117, %mul3A_144 : vector<16xf32>
        %slice3A_146 = vector.extract_strided_slice %div3A_27 {offsets = [4], sizes = [1], strides = [1]} : vector<16xf32> to vector<1xf32>
        %squeeze3A_147 = vector.extract %slice3A_146[0] : f32 from vector<1xf32>
        %slice3A_148 = vector.extract_strided_slice %get3A_19 {offsets = [4], sizes = [1], strides = [1]} : vector<16xi32> to vector<1xi32>
        %squeeze3A_149 = vector.extract %slice3A_148[0] : i32 from vector<1xi32>
        %get3A_150 = arith.index_cast %squeeze3A_149 : i32 to index
        %get3A_151 = arith.constant 0 : index
        %get3A_152 = tpu.vector_load %arg6[%get3A_150, %get3A_151] {strides = array<i32>} : memref<325x80xf32, #tpu.memory_space<vmem>>, vector<16xf32>,
        %mul3A_153 = vector.broadcast %squeeze3A_147 : f32 to vector<16xf32>
        %mul3A_154 = arith.mulf %mul3A_153, %get3A_152 : vector<16xf32>
        %add3A_155 = arith.addf %add3A_127, %mul3A_154 : vector<16xf32>
        %get3A_156 = arith.index_cast %squeeze3A_149 : i32 to index
        %get3A_157 = arith.constant 16 : index
        %get3A_158 = tpu.vector_load %arg6[%get3A_156, %get3A_157] {strides = array<i32>} : memref<325x80xf32, #tpu.memory_space<vmem>>, vector<16xf32>,
        %mul3A_159 = vector.broadcast %squeeze3A_147 : f32 to vector<16xf32>
        %mul3A_160 = arith.mulf %mul3A_159, %get3A_158 : vector<16xf32>
        %add3A_161 = arith.addf %add3A_133, %mul3A_160 : vector<16xf32>
        %get3A_162 = arith.index_cast %squeeze3A_149 : i32 to index
        %get3A_163 = arith.constant 32 : index
        %get3A_164 = tpu.vector_load %arg6[%get3A_162, %get3A_163] {strides = array<i32>} : memref<325x80xf32, #tpu.memory_space<vmem>>, vector<16xf32>,
        %mul3A_165 = vector.broadcast %squeeze3A_147 : f32 to vector<16xf32>
        %mul3A_166 = arith.mulf %mul3A_165, %get3A_164 : vector<16xf32>
        %add3A_167 = arith.addf %add3A_139, %mul3A_166 : vector<16xf32>
        %get3A_168 = arith.index_cast %squeeze3A_149 : i32 to index
        %get3A_169 = arith.constant 48 : index
        %get3A_170 = tpu.vector_load %arg6[%get3A_168, %get3A_169] {strides = array<i32>} : memref<325x80xf32, #tpu.memory_space<vmem>>, vector<16xf32>,
        %mul3A_171 = vector.broadcast %squeeze3A_147 : f32 to vector<16xf32>
        %mul3A_172 = arith.mulf %mul3A_171, %get3A_170 : vector<16xf32>
        %add3A_173 = arith.addf %add3A_145, %mul3A_172 : vector<16xf32>
        %slice3A_174 = vector.extract_strided_slice %div3A_27 {offsets = [5], sizes = [1], strides = [1]} : vector<16xf32> to vector<1xf32>
        %squeeze3A_175 = vector.extract %slice3A_174[0] : f32 from vector<1xf32>
        %slice3A_176 = vector.extract_strided_slice %get3A_19 {offsets = [5], sizes = [1], strides = [1]} : vector<16xi32> to vector<1xi32>
        %squeeze3A_177 = vector.extract %slice3A_176[0] : i32 from vector<1xi32>
        %get3A_178 = arith.index_cast %squeeze3A_177 : i32 to index
        %get3A_179 = arith.constant 0 : index
        %get3A_180 = tpu.vector_load %arg6[%get3A_178, %get3A_179] {strides = array<i32>} : memref<325x80xf32, #tpu.memory_space<vmem>>, vector<16xf32>,
        %mul3A_181 = vector.broadcast %squeeze3A_175 : f32 to vector<16xf32>
        %mul3A_182 = arith.mulf %mul3A_181, %get3A_180 : vector<16xf32>
        %add3A_183 = arith.addf %add3A_155, %mul3A_182 : vector<16xf32>
        %get3A_184 = arith.index_cast %squeeze3A_177 : i32 to index
        %get3A_185 = arith.constant 16 : index
        %get3A_186 = tpu.vector_load %arg6[%get3A_184, %get3A_185] {strides = array<i32>} : memref<325x80xf32, #tpu.memory_space<vmem>>, vector<16xf32>,
        %mul3A_187 = vector.broadcast %squeeze3A_175 : f32 to vector<16xf32>
        %mul3A_188 = arith.mulf %mul3A_187, %get3A_186 : vector<16xf32>
        %add3A_189 = arith.addf %add3A_161, %mul3A_188 : vector<16xf32>
        %get3A_190 = arith.index_cast %squeeze3A_177 : i32 to index
        %get3A_191 = arith.constant 32 : index
        %get3A_192 = tpu.vector_load %arg6[%get3A_190, %get3A_191] {strides = array<i32>} : memref<325x80xf32, #tpu.memory_space<vmem>>, vector<16xf32>,
        %mul3A_193 = vector.broadcast %squeeze3A_175 : f32 to vector<16xf32>
        %mul3A_194 = arith.mulf %mul3A_193, %get3A_192 : vector<16xf32>
        %add3A_195 = arith.addf %add3A_167, %mul3A_194 : vector<16xf32>
        %get3A_196 = arith.index_cast %squeeze3A_177 : i32 to index
        %get3A_197 = arith.constant 48 : index
        %get3A_198 = tpu.vector_load %arg6[%get3A_196, %get3A_197] {strides = array<i32>} : memref<325x80xf32, #tpu.memory_space<vmem>>, vector<16xf32>,
        %mul3A_199 = vector.broadcast %squeeze3A_175 : f32 to vector<16xf32>
        %mul3A_200 = arith.mulf %mul3A_199, %get3A_198 : vector<16xf32>
        %add3A_201 = arith.addf %add3A_173, %mul3A_200 : vector<16xf32>
        %slice3A_202 = vector.extract_strided_slice %div3A_27 {offsets = [6], sizes = [1], strides = [1]} : vector<16xf32> to vector<1xf32>
        %squeeze3A_203 = vector.extract %slice3A_202[0] : f32 from vector<1xf32>
        %slice3A_204 = vector.extract_strided_slice %get3A_19 {offsets = [6], sizes = [1], strides = [1]} : vector<16xi32> to vector<1xi32>
        %squeeze3A_205 = vector.extract %slice3A_204[0] : i32 from vector<1xi32>
        %get3A_206 = arith.index_cast %squeeze3A_205 : i32 to index
        %get3A_207 = arith.constant 0 : index
        %get3A_208 = tpu.vector_load %arg6[%get3A_206, %get3A_207] {strides = array<i32>} : memref<325x80xf32, #tpu.memory_space<vmem>>, vector<16xf32>,
        %mul3A_209 = vector.broadcast %squeeze3A_203 : f32 to vector<16xf32>
        %mul3A_210 = arith.mulf %mul3A_209, %get3A_208 : vector<16xf32>
        %add3A_211 = arith.addf %add3A_183, %mul3A_210 : vector<16xf32>
        %get3A_212 = arith.index_cast %squeeze3A_205 : i32 to index
        %get3A_213 = arith.constant 16 : index
        %get3A_214 = tpu.vector_load %arg6[%get3A_212, %get3A_213] {strides = array<i32>} : memref<325x80xf32, #tpu.memory_space<vmem>>, vector<16xf32>,
        %mul3A_215 = vector.broadcast %squeeze3A_203 : f32 to vector<16xf32>
        %mul3A_216 = arith.mulf %mul3A_215, %get3A_214 : vector<16xf32>
        %add3A_217 = arith.addf %add3A_189, %mul3A_216 : vector<16xf32>
        %get3A_218 = arith.index_cast %squeeze3A_205 : i32 to index
        %get3A_219 = arith.constant 32 : index
        %get3A_220 = tpu.vector_load %arg6[%get3A_218, %get3A_219] {strides = array<i32>} : memref<325x80xf32, #tpu.memory_space<vmem>>, vector<16xf32>,
        %mul3A_221 = vector.broadcast %squeeze3A_203 : f32 to vector<16xf32>
        %mul3A_222 = arith.mulf %mul3A_221, %get3A_220 : vector<16xf32>
        %add3A_223 = arith.addf %add3A_195, %mul3A_222 : vector<16xf32>
        %get3A_224 = arith.index_cast %squeeze3A_205 : i32 to index
        %get3A_225 = arith.constant 48 : index
        %get3A_226 = tpu.vector_load %arg6[%get3A_224, %get3A_225] {strides = array<i32>} : memref<325x80xf32, #tpu.memory_space<vmem>>, vector<16xf32>,
        %mul3A_227 = vector.broadcast %squeeze3A_203 : f32 to vector<16xf32>
        %mul3A_228 = arith.mulf %mul3A_227, %get3A_226 : vector<16xf32>
        %add3A_229 = arith.addf %add3A_201, %mul3A_228 : vector<16xf32>
        %slice3A_230 = vector.extract_strided_slice %div3A_27 {offsets = [7], sizes = [1], strides = [1]} : vector<16xf32> to vector<1xf32>
        %squeeze3A_231 = vector.extract %slice3A_230[0] : f32 from vector<1xf32>
        %slice3A_232 = vector.extract_strided_slice %get3A_19 {offsets = [7], sizes = [1], strides = [1]} : vector<16xi32> to vector<1xi32>
        %squeeze3A_233 = vector.extract %slice3A_232[0] : i32 from vector<1xi32>
        %get3A_234 = arith.index_cast %squeeze3A_233 : i32 to index
        %get3A_235 = arith.constant 0 : index
        %get3A_236 = tpu.vector_load %arg6[%get3A_234, %get3A_235] {strides = array<i32>} : memref<325x80xf32, #tpu.memory_space<vmem>>, vector<16xf32>,
        %mul3A_237 = vector.broadcast %squeeze3A_231 : f32 to vector<16xf32>
        %mul3A_238 = arith.mulf %mul3A_237, %get3A_236 : vector<16xf32>
        %add3A_239 = arith.addf %add3A_211, %mul3A_238 : vector<16xf32>
        %get3A_240 = arith.index_cast %squeeze3A_233 : i32 to index
        %get3A_241 = arith.constant 16 : index
        %get3A_242 = tpu.vector_load %arg6[%get3A_240, %get3A_241] {strides = array<i32>} : memref<325x80xf32, #tpu.memory_space<vmem>>, vector<16xf32>,
        %mul3A_243 = vector.broadcast %squeeze3A_231 : f32 to vector<16xf32>
        %mul3A_244 = arith.mulf %mul3A_243, %get3A_242 : vector<16xf32>
        %add3A_245 = arith.addf %add3A_217, %mul3A_244 : vector<16xf32>
        %get3A_246 = arith.index_cast %squeeze3A_233 : i32 to index
        %get3A_247 = arith.constant 32 : index
        %get3A_248 = tpu.vector_load %arg6[%get3A_246, %get3A_247] {strides = array<i32>} : memref<325x80xf32, #tpu.memory_space<vmem>>, vector<16xf32>,
        %mul3A_249 = vector.broadcast %squeeze3A_231 : f32 to vector<16xf32>
        %mul3A_250 = arith.mulf %mul3A_249, %get3A_248 : vector<16xf32>
        %add3A_251 = arith.addf %add3A_223, %mul3A_250 : vector<16xf32>
        %get3A_252 = arith.index_cast %squeeze3A_233 : i32 to index
        %get3A_253 = arith.constant 48 : index
        %get3A_254 = tpu.vector_load %arg6[%get3A_252, %get3A_253] {strides = array<i32>} : memref<325x80xf32, #tpu.memory_space<vmem>>, vector<16xf32>,
        %mul3A_255 = vector.broadcast %squeeze3A_231 : f32 to vector<16xf32>
        %mul3A_256 = arith.mulf %mul3A_255, %get3A_254 : vector<16xf32>
        %add3A_257 = arith.addf %add3A_229, %mul3A_256 : vector<16xf32>
        %slice3A_258 = vector.extract_strided_slice %div3A_27 {offsets = [8], sizes = [1], strides = [1]} : vector<16xf32> to vector<1xf32>
        %squeeze3A_259 = vector.extract %slice3A_258[0] : f32 from vector<1xf32>
        %slice3A_260 = vector.extract_strided_slice %get3A_19 {offsets = [8], sizes = [1], strides = [1]} : vector<16xi32> to vector<1xi32>
        %squeeze3A_261 = vector.extract %slice3A_260[0] : i32 from vector<1xi32>
        %get3A_262 = arith.index_cast %squeeze3A_261 : i32 to index
        %get3A_263 = arith.constant 0 : index
        %get3A_264 = tpu.vector_load %arg6[%get3A_262, %get3A_263] {strides = array<i32>} : memref<325x80xf32, #tpu.memory_space<vmem>>, vector<16xf32>,
        %mul3A_265 = vector.broadcast %squeeze3A_259 : f32 to vector<16xf32>
        %mul3A_266 = arith.mulf %mul3A_265, %get3A_264 : vector<16xf32>
        %add3A_267 = arith.addf %add3A_239, %mul3A_266 : vector<16xf32>
        %get3A_268 = arith.index_cast %squeeze3A_261 : i32 to index
        %get3A_269 = arith.constant 16 : index
        %get3A_270 = tpu.vector_load %arg6[%get3A_268, %get3A_269] {strides = array<i32>} : memref<325x80xf32, #tpu.memory_space<vmem>>, vector<16xf32>,
        %mul3A_271 = vector.broadcast %squeeze3A_259 : f32 to vector<16xf32>
        %mul3A_272 = arith.mulf %mul3A_271, %get3A_270 : vector<16xf32>
        %add3A_273 = arith.addf %add3A_245, %mul3A_272 : vector<16xf32>
        %get3A_274 = arith.index_cast %squeeze3A_261 : i32 to index
        %get3A_275 = arith.constant 32 : index
        %get3A_276 = tpu.vector_load %arg6[%get3A_274, %get3A_275] {strides = array<i32>} : memref<325x80xf32, #tpu.memory_space<vmem>>, vector<16xf32>,
        %mul3A_277 = vector.broadcast %squeeze3A_259 : f32 to vector<16xf32>
        %mul3A_278 = arith.mulf %mul3A_277, %get3A_276 : vector<16xf32>
        %add3A_279 = arith.addf %add3A_251, %mul3A_278 : vector<16xf32>
        %get3A_280 = arith.index_cast %squeeze3A_261 : i32 to index
        %get3A_281 = arith.constant 48 : index
        %get3A_282 = tpu.vector_load %arg6[%get3A_280, %get3A_281] {strides = array<i32>} : memref<325x80xf32, #tpu.memory_space<vmem>>, vector<16xf32>,
        %mul3A_283 = vector.broadcast %squeeze3A_259 : f32 to vector<16xf32>
        %mul3A_284 = arith.mulf %mul3A_283, %get3A_282 : vector<16xf32>
        %add3A_285 = arith.addf %add3A_257, %mul3A_284 : vector<16xf32>
        %slice3A_286 = vector.extract_strided_slice %div3A_27 {offsets = [9], sizes = [1], strides = [1]} : vector<16xf32> to vector<1xf32>
        %squeeze3A_287 = vector.extract %slice3A_286[0] : f32 from vector<1xf32>
        %slice3A_288 = vector.extract_strided_slice %get3A_19 {offsets = [9], sizes = [1], strides = [1]} : vector<16xi32> to vector<1xi32>
        %squeeze3A_289 = vector.extract %slice3A_288[0] : i32 from vector<1xi32>
        %get3A_290 = arith.index_cast %squeeze3A_289 : i32 to index
        %get3A_291 = arith.constant 0 : index
        %get3A_292 = tpu.vector_load %arg6[%get3A_290, %get3A_291] {strides = array<i32>} : memref<325x80xf32, #tpu.memory_space<vmem>>, vector<16xf32>,
        %mul3A_293 = vector.broadcast %squeeze3A_287 : f32 to vector<16xf32>
        %mul3A_294 = arith.mulf %mul3A_293, %get3A_292 : vector<16xf32>
        %add3A_295 = arith.addf %add3A_267, %mul3A_294 : vector<16xf32>
        %get3A_296 = arith.index_cast %squeeze3A_289 : i32 to index
        %get3A_297 = arith.constant 16 : index
        %get3A_298 = tpu.vector_load %arg6[%get3A_296, %get3A_297] {strides = array<i32>} : memref<325x80xf32, #tpu.memory_space<vmem>>, vector<16xf32>,
        %mul3A_299 = vector.broadcast %squeeze3A_287 : f32 to vector<16xf32>
        %mul3A_300 = arith.mulf %mul3A_299, %get3A_298 : vector<16xf32>
        %add3A_301 = arith.addf %add3A_273, %mul3A_300 : vector<16xf32>
        %get3A_302 = arith.index_cast %squeeze3A_289 : i32 to index
        %get3A_303 = arith.constant 32 : index
        %get3A_304 = tpu.vector_load %arg6[%get3A_302, %get3A_303] {strides = array<i32>} : memref<325x80xf32, #tpu.memory_space<vmem>>, vector<16xf32>,
        %mul3A_305 = vector.broadcast %squeeze3A_287 : f32 to vector<16xf32>
        %mul3A_306 = arith.mulf %mul3A_305, %get3A_304 : vector<16xf32>
        %add3A_307 = arith.addf %add3A_279, %mul3A_306 : vector<16xf32>
        %get3A_308 = arith.index_cast %squeeze3A_289 : i32 to index
        %get3A_309 = arith.constant 48 : index
        %get3A_310 = tpu.vector_load %arg6[%get3A_308, %get3A_309] {strides = array<i32>} : memref<325x80xf32, #tpu.memory_space<vmem>>, vector<16xf32>,
        %mul3A_311 = vector.broadcast %squeeze3A_287 : f32 to vector<16xf32>
        %mul3A_312 = arith.mulf %mul3A_311, %get3A_310 : vector<16xf32>
        %add3A_313 = arith.addf %add3A_285, %mul3A_312 : vector<16xf32>
        %slice3A_314 = vector.extract_strided_slice %div3A_27 {offsets = [10], sizes = [1], strides = [1]} : vector<16xf32> to vector<1xf32>
        %squeeze3A_315 = vector.extract %slice3A_314[0] : f32 from vector<1xf32>
        %slice3A_316 = vector.extract_strided_slice %get3A_19 {offsets = [10], sizes = [1], strides = [1]} : vector<16xi32> to vector<1xi32>
        %squeeze3A_317 = vector.extract %slice3A_316[0] : i32 from vector<1xi32>
        %get3A_318 = arith.index_cast %squeeze3A_317 : i32 to index
        %get3A_319 = arith.constant 0 : index
        %get3A_320 = tpu.vector_load %arg6[%get3A_318, %get3A_319] {strides = array<i32>} : memref<325x80xf32, #tpu.memory_space<vmem>>, vector<16xf32>,
        %mul3A_321 = vector.broadcast %squeeze3A_315 : f32 to vector<16xf32>
        %mul3A_322 = arith.mulf %mul3A_321, %get3A_320 : vector<16xf32>
        %add3A_323 = arith.addf %add3A_295, %mul3A_322 : vector<16xf32>
        %get3A_324 = arith.index_cast %squeeze3A_317 : i32 to index
        %get3A_325 = arith.constant 16 : index
        %get3A_326 = tpu.vector_load %arg6[%get3A_324, %get3A_325] {strides = array<i32>} : memref<325x80xf32, #tpu.memory_space<vmem>>, vector<16xf32>,
        %mul3A_327 = vector.broadcast %squeeze3A_315 : f32 to vector<16xf32>
        %mul3A_328 = arith.mulf %mul3A_327, %get3A_326 : vector<16xf32>
        %add3A_329 = arith.addf %add3A_301, %mul3A_328 : vector<16xf32>
        %get3A_330 = arith.index_cast %squeeze3A_317 : i32 to index
        %get3A_331 = arith.constant 32 : index
        %get3A_332 = tpu.vector_load %arg6[%get3A_330, %get3A_331] {strides = array<i32>} : memref<325x80xf32, #tpu.memory_space<vmem>>, vector<16xf32>,
        %mul3A_333 = vector.broadcast %squeeze3A_315 : f32 to vector<16xf32>
        %mul3A_334 = arith.mulf %mul3A_333, %get3A_332 : vector<16xf32>
        %add3A_335 = arith.addf %add3A_307, %mul3A_334 : vector<16xf32>
        %get3A_336 = arith.index_cast %squeeze3A_317 : i32 to index
        %get3A_337 = arith.constant 48 : index
        %get3A_338 = tpu.vector_load %arg6[%get3A_336, %get3A_337] {strides = array<i32>} : memref<325x80xf32, #tpu.memory_space<vmem>>, vector<16xf32>,
        %mul3A_339 = vector.broadcast %squeeze3A_315 : f32 to vector<16xf32>
        %mul3A_340 = arith.mulf %mul3A_339, %get3A_338 : vector<16xf32>
        %add3A_341 = arith.addf %add3A_313, %mul3A_340 : vector<16xf32>
        %slice3A_342 = vector.extract_strided_slice %div3A_27 {offsets = [11], sizes = [1], strides = [1]} : vector<16xf32> to vector<1xf32>
        %squeeze3A_343 = vector.extract %slice3A_342[0] : f32 from vector<1xf32>
        %slice3A_344 = vector.extract_strided_slice %get3A_19 {offsets = [11], sizes = [1], strides = [1]} : vector<16xi32> to vector<1xi32>
        %squeeze3A_345 = vector.extract %slice3A_344[0] : i32 from vector<1xi32>
        %get3A_346 = arith.index_cast %squeeze3A_345 : i32 to index
        %get3A_347 = arith.constant 0 : index
        %get3A_348 = tpu.vector_load %arg6[%get3A_346, %get3A_347] {strides = array<i32>} : memref<325x80xf32, #tpu.memory_space<vmem>>, vector<16xf32>,
        %mul3A_349 = vector.broadcast %squeeze3A_343 : f32 to vector<16xf32>
        %mul3A_350 = arith.mulf %mul3A_349, %get3A_348 : vector<16xf32>
        %add3A_351 = arith.addf %add3A_323, %mul3A_350 : vector<16xf32>
        %get3A_352 = arith.index_cast %squeeze3A_345 : i32 to index
        %get3A_353 = arith.constant 16 : index
        %get3A_354 = tpu.vector_load %arg6[%get3A_352, %get3A_353] {strides = array<i32>} : memref<325x80xf32, #tpu.memory_space<vmem>>, vector<16xf32>,
        %mul3A_355 = vector.broadcast %squeeze3A_343 : f32 to vector<16xf32>
        %mul3A_356 = arith.mulf %mul3A_355, %get3A_354 : vector<16xf32>
        %add3A_357 = arith.addf %add3A_329, %mul3A_356 : vector<16xf32>
        %get3A_358 = arith.index_cast %squeeze3A_345 : i32 to index
        %get3A_359 = arith.constant 32 : index
        %get3A_360 = tpu.vector_load %arg6[%get3A_358, %get3A_359] {strides = array<i32>} : memref<325x80xf32, #tpu.memory_space<vmem>>, vector<16xf32>,
        %mul3A_361 = vector.broadcast %squeeze3A_343 : f32 to vector<16xf32>
        %mul3A_362 = arith.mulf %mul3A_361, %get3A_360 : vector<16xf32>
        %add3A_363 = arith.addf %add3A_335, %mul3A_362 : vector<16xf32>
        %get3A_364 = arith.index_cast %squeeze3A_345 : i32 to index
        %get3A_365 = arith.constant 48 : index
        %get3A_366 = tpu.vector_load %arg6[%get3A_364, %get3A_365] {strides = array<i32>} : memref<325x80xf32, #tpu.memory_space<vmem>>, vector<16xf32>,
        %mul3A_367 = vector.broadcast %squeeze3A_343 : f32 to vector<16xf32>
        %mul3A_368 = arith.mulf %mul3A_367, %get3A_366 : vector<16xf32>
        %add3A_369 = arith.addf %add3A_341, %mul3A_368 : vector<16xf32>
        %slice3A_370 = vector.extract_strided_slice %div3A_27 {offsets = [12], sizes = [1], strides = [1]} : vector<16xf32> to vector<1xf32>
        %squeeze3A_371 = vector.extract %slice3A_370[0] : f32 from vector<1xf32>
        %slice3A_372 = vector.extract_strided_slice %get3A_19 {offsets = [12], sizes = [1], strides = [1]} : vector<16xi32> to vector<1xi32>
        %squeeze3A_373 = vector.extract %slice3A_372[0] : i32 from vector<1xi32>
        %get3A_374 = arith.index_cast %squeeze3A_373 : i32 to index
        %get3A_375 = arith.constant 0 : index
        %get3A_376 = tpu.vector_load %arg6[%get3A_374, %get3A_375] {strides = array<i32>} : memref<325x80xf32, #tpu.memory_space<vmem>>, vector<16xf32>,
        %mul3A_377 = vector.broadcast %squeeze3A_371 : f32 to vector<16xf32>
        %mul3A_378 = arith.mulf %mul3A_377, %get3A_376 : vector<16xf32>
        %add3A_379 = arith.addf %add3A_351, %mul3A_378 : vector<16xf32>
        %get3A_380 = arith.index_cast %squeeze3A_373 : i32 to index
        %get3A_381 = arith.constant 16 : index
        %get3A_382 = tpu.vector_load %arg6[%get3A_380, %get3A_381] {strides = array<i32>} : memref<325x80xf32, #tpu.memory_space<vmem>>, vector<16xf32>,
        %mul3A_383 = vector.broadcast %squeeze3A_371 : f32 to vector<16xf32>
        %mul3A_384 = arith.mulf %mul3A_383, %get3A_382 : vector<16xf32>
        %add3A_385 = arith.addf %add3A_357, %mul3A_384 : vector<16xf32>
        %get3A_386 = arith.index_cast %squeeze3A_373 : i32 to index
        %get3A_387 = arith.constant 32 : index
        %get3A_388 = tpu.vector_load %arg6[%get3A_386, %get3A_387] {strides = array<i32>} : memref<325x80xf32, #tpu.memory_space<vmem>>, vector<16xf32>,
        %mul3A_389 = vector.broadcast %squeeze3A_371 : f32 to vector<16xf32>
        %mul3A_390 = arith.mulf %mul3A_389, %get3A_388 : vector<16xf32>
        %add3A_391 = arith.addf %add3A_363, %mul3A_390 : vector<16xf32>
        %get3A_392 = arith.index_cast %squeeze3A_373 : i32 to index
        %get3A_393 = arith.constant 48 : index
        %get3A_394 = tpu.vector_load %arg6[%get3A_392, %get3A_393] {strides = array<i32>} : memref<325x80xf32, #tpu.memory_space<vmem>>, vector<16xf32>,
        %mul3A_395 = vector.broadcast %squeeze3A_371 : f32 to vector<16xf32>
        %mul3A_396 = arith.mulf %mul3A_395, %get3A_394 : vector<16xf32>
        %add3A_397 = arith.addf %add3A_369, %mul3A_396 : vector<16xf32>
        %slice3A_398 = vector.extract_strided_slice %div3A_27 {offsets = [13], sizes = [1], strides = [1]} : vector<16xf32> to vector<1xf32>
        %squeeze3A_399 = vector.extract %slice3A_398[0] : f32 from vector<1xf32>
        %slice3A_400 = vector.extract_strided_slice %get3A_19 {offsets = [13], sizes = [1], strides = [1]} : vector<16xi32> to vector<1xi32>
        %squeeze3A_401 = vector.extract %slice3A_400[0] : i32 from vector<1xi32>
        %get3A_402 = arith.index_cast %squeeze3A_401 : i32 to index
        %get3A_403 = arith.constant 0 : index
        %get3A_404 = tpu.vector_load %arg6[%get3A_402, %get3A_403] {strides = array<i32>} : memref<325x80xf32, #tpu.memory_space<vmem>>, vector<16xf32>,
        %mul3A_405 = vector.broadcast %squeeze3A_399 : f32 to vector<16xf32>
        %mul3A_406 = arith.mulf %mul3A_405, %get3A_404 : vector<16xf32>
        %add3A_407 = arith.addf %add3A_379, %mul3A_406 : vector<16xf32>
        %get3A_408 = arith.index_cast %squeeze3A_401 : i32 to index
        %get3A_409 = arith.constant 16 : index
        %get3A_410 = tpu.vector_load %arg6[%get3A_408, %get3A_409] {strides = array<i32>} : memref<325x80xf32, #tpu.memory_space<vmem>>, vector<16xf32>,
        %mul3A_411 = vector.broadcast %squeeze3A_399 : f32 to vector<16xf32>
        %mul3A_412 = arith.mulf %mul3A_411, %get3A_410 : vector<16xf32>
        %add3A_413 = arith.addf %add3A_385, %mul3A_412 : vector<16xf32>
        %get3A_414 = arith.index_cast %squeeze3A_401 : i32 to index
        %get3A_415 = arith.constant 32 : index
        %get3A_416 = tpu.vector_load %arg6[%get3A_414, %get3A_415] {strides = array<i32>} : memref<325x80xf32, #tpu.memory_space<vmem>>, vector<16xf32>,
        %mul3A_417 = vector.broadcast %squeeze3A_399 : f32 to vector<16xf32>
        %mul3A_418 = arith.mulf %mul3A_417, %get3A_416 : vector<16xf32>
        %add3A_419 = arith.addf %add3A_391, %mul3A_418 : vector<16xf32>
        %get3A_420 = arith.index_cast %squeeze3A_401 : i32 to index
        %get3A_421 = arith.constant 48 : index
        %get3A_422 = tpu.vector_load %arg6[%get3A_420, %get3A_421] {strides = array<i32>} : memref<325x80xf32, #tpu.memory_space<vmem>>, vector<16xf32>,
        %mul3A_423 = vector.broadcast %squeeze3A_399 : f32 to vector<16xf32>
        %mul3A_424 = arith.mulf %mul3A_423, %get3A_422 : vector<16xf32>
        %add3A_425 = arith.addf %add3A_397, %mul3A_424 : vector<16xf32>
        %slice3A_426 = vector.extract_strided_slice %div3A_27 {offsets = [14], sizes = [1], strides = [1]} : vector<16xf32> to vector<1xf32>
        %squeeze3A_427 = vector.extract %slice3A_426[0] : f32 from vector<1xf32>
        %slice3A_428 = vector.extract_strided_slice %get3A_19 {offsets = [14], sizes = [1], strides = [1]} : vector<16xi32> to vector<1xi32>
        %squeeze3A_429 = vector.extract %slice3A_428[0] : i32 from vector<1xi32>
        %get3A_430 = arith.index_cast %squeeze3A_429 : i32 to index
        %get3A_431 = arith.constant 0 : index
        %get3A_432 = tpu.vector_load %arg6[%get3A_430, %get3A_431] {strides = array<i32>} : memref<325x80xf32, #tpu.memory_space<vmem>>, vector<16xf32>,
        %mul3A_433 = vector.broadcast %squeeze3A_427 : f32 to vector<16xf32>
        %mul3A_434 = arith.mulf %mul3A_433, %get3A_432 : vector<16xf32>
        %add3A_435 = arith.addf %add3A_407, %mul3A_434 : vector<16xf32>
        %get3A_436 = arith.index_cast %squeeze3A_429 : i32 to index
        %get3A_437 = arith.constant 16 : index
        %get3A_438 = tpu.vector_load %arg6[%get3A_436, %get3A_437] {strides = array<i32>} : memref<325x80xf32, #tpu.memory_space<vmem>>, vector<16xf32>,
        %mul3A_439 = vector.broadcast %squeeze3A_427 : f32 to vector<16xf32>
        %mul3A_440 = arith.mulf %mul3A_439, %get3A_438 : vector<16xf32>
        %add3A_441 = arith.addf %add3A_413, %mul3A_440 : vector<16xf32>
        %get3A_442 = arith.index_cast %squeeze3A_429 : i32 to index
        %get3A_443 = arith.constant 32 : index
        %get3A_444 = tpu.vector_load %arg6[%get3A_442, %get3A_443] {strides = array<i32>} : memref<325x80xf32, #tpu.memory_space<vmem>>, vector<16xf32>,
        %mul3A_445 = vector.broadcast %squeeze3A_427 : f32 to vector<16xf32>
        %mul3A_446 = arith.mulf %mul3A_445, %get3A_444 : vector<16xf32>
        %add3A_447 = arith.addf %add3A_419, %mul3A_446 : vector<16xf32>
        %get3A_448 = arith.index_cast %squeeze3A_429 : i32 to index
        %get3A_449 = arith.constant 48 : index
        %get3A_450 = tpu.vector_load %arg6[%get3A_448, %get3A_449] {strides = array<i32>} : memref<325x80xf32, #tpu.memory_space<vmem>>, vector<16xf32>,
        %mul3A_451 = vector.broadcast %squeeze3A_427 : f32 to vector<16xf32>
        %mul3A_452 = arith.mulf %mul3A_451, %get3A_450 : vector<16xf32>
        %add3A_453 = arith.addf %add3A_425, %mul3A_452 : vector<16xf32>
        %slice3A_454 = vector.extract_strided_slice %div3A_27 {offsets = [15], sizes = [1], strides = [1]} : vector<16xf32> to vector<1xf32>
        %squeeze3A_455 = vector.extract %slice3A_454[0] : f32 from vector<1xf32>
        %slice3A_456 = vector.extract_strided_slice %get3A_19 {offsets = [15], sizes = [1], strides = [1]} : vector<16xi32> to vector<1xi32>
        %squeeze3A_457 = vector.extract %slice3A_456[0] : i32 from vector<1xi32>
        %get3A_458 = arith.index_cast %squeeze3A_457 : i32 to index
        %get3A_459 = arith.constant 0 : index
        %get3A_460 = tpu.vector_load %arg6[%get3A_458, %get3A_459] {strides = array<i32>} : memref<325x80xf32, #tpu.memory_space<vmem>>, vector<16xf32>,
        %mul3A_461 = vector.broadcast %squeeze3A_455 : f32 to vector<16xf32>
        %mul3A_462 = arith.mulf %mul3A_461, %get3A_460 : vector<16xf32>
        %add3A_463 = arith.addf %add3A_435, %mul3A_462 : vector<16xf32>
        %get3A_464 = arith.index_cast %squeeze3A_457 : i32 to index
        %get3A_465 = arith.constant 16 : index
        %get3A_466 = tpu.vector_load %arg6[%get3A_464, %get3A_465] {strides = array<i32>} : memref<325x80xf32, #tpu.memory_space<vmem>>, vector<16xf32>,
        %mul3A_467 = vector.broadcast %squeeze3A_455 : f32 to vector<16xf32>
        %mul3A_468 = arith.mulf %mul3A_467, %get3A_466 : vector<16xf32>
        %add3A_469 = arith.addf %add3A_441, %mul3A_468 : vector<16xf32>
        %get3A_470 = arith.index_cast %squeeze3A_457 : i32 to index
        %get3A_471 = arith.constant 32 : index
        %get3A_472 = tpu.vector_load %arg6[%get3A_470, %get3A_471] {strides = array<i32>} : memref<325x80xf32, #tpu.memory_space<vmem>>, vector<16xf32>,
        %mul3A_473 = vector.broadcast %squeeze3A_455 : f32 to vector<16xf32>
        %mul3A_474 = arith.mulf %mul3A_473, %get3A_472 : vector<16xf32>
        %add3A_475 = arith.addf %add3A_447, %mul3A_474 : vector<16xf32>
        %get3A_476 = arith.index_cast %squeeze3A_457 : i32 to index
        %get3A_477 = arith.constant 48 : index
        %get3A_478 = tpu.vector_load %arg6[%get3A_476, %get3A_477] {strides = array<i32>} : memref<325x80xf32, #tpu.memory_space<vmem>>, vector<16xf32>,
        %mul3A_479 = vector.broadcast %squeeze3A_455 : f32 to vector<16xf32>
        %mul3A_480 = arith.mulf %mul3A_479, %get3A_478 : vector<16xf32>
        %add3A_481 = arith.addf %add3A_453, %mul3A_480 : vector<16xf32>
        %swap3A = arith.index_cast %scan3A_17 : i32 to index
        %swap3A_482 = arith.constant 0 : index
        %swap3A_483 = tpu.vector_load %arg7[%swap3A, %swap3A_482] {strides = array<i32>} : memref<325x64xf32, #tpu.memory_space<vmem>>, vector<16xf32>,
        tpu.vector_store %arg7[%swap3A, %swap3A_482], %add3A_463 {strides = array<i32>} : memref<325x64xf32, #tpu.memory_space<vmem>>, vector<16xf32>,
        %swap3A_484 = arith.index_cast %scan3A_17 : i32 to index
        %swap3A_485 = arith.constant 16 : index
        %swap3A_486 = tpu.vector_load %arg7[%swap3A_484, %swap3A_485] {strides = array<i32>} : memref<325x64xf32, #tpu.memory_space<vmem>>, vector<16xf32>,
        tpu.vector_store %arg7[%swap3A_484, %swap3A_485], %add3A_469 {strides = array<i32>} : memref<325x64xf32, #tpu.memory_space<vmem>>, vector<16xf32>,
        %swap3A_487 = arith.index_cast %scan3A_17 : i32 to index
        %swap3A_488 = arith.constant 32 : index
        %swap3A_489 = tpu.vector_load %arg7[%swap3A_487, %swap3A_488] {strides = array<i32>} : memref<325x64xf32, #tpu.memory_space<vmem>>, vector<16xf32>,
        tpu.vector_store %arg7[%swap3A_487, %swap3A_488], %add3A_475 {strides = array<i32>} : memref<325x64xf32, #tpu.memory_space<vmem>>, vector<16xf32>,
        %swap3A_490 = arith.index_cast %scan3A_17 : i32 to index
        %swap3A_491 = arith.constant 48 : index
        %swap3A_492 = tpu.vector_load %arg7[%swap3A_490, %swap3A_491] {strides = array<i32>} : memref<325x64xf32, #tpu.memory_space<vmem>>, vector<16xf32>,
        tpu.vector_store %arg7[%swap3A_490, %swap3A_491], %add3A_481 {strides = array<i32>} : memref<325x64xf32, #tpu.memory_space<vmem>>, vector<16xf32>,
      }
      %scan3A_16 = arith.constant 325 : i32
      "tpu.region"() ({
        %run_scoped3A = tpu.sem_alloc : memref<!tpu.dma_semaphore, #tpu.memory_space<semaphore_mem>>
        %dma_start3A = arith.constant 0 : i32
        %dma_start3A_17 = arith.constant 0 : i32
        %dma_start3A_18 = tpu.memref_slice %arg4[%add3A_10, %dma_start3A, %dma_start3A_17] : memref<384x325x64xf32, #tpu.memory_space<hbm>> -> memref<1x325x64xf32, #tpu.memory_space<hbm>>
        %dma_start3A_19 = tpu.memref_squeeze %dma_start3A_18 : memref<1x325x64xf32, #tpu.memory_space<hbm>> -> memref<325x64xf32, #tpu.memory_space<hbm>>
        %dma_start3A_20 = arith.constant 0 : i32
        %dma_start3A_21 = arith.constant 0 : i32
        %dma_start3A_22 = tpu.memref_slice %arg4[%add3A_10, %dma_start3A_20, %dma_start3A_21] : memref<384x325x64xf32, #tpu.memory_space<hbm>> -> memref<1x325x64xf32, #tpu.memory_space<hbm>>
        %dma_start3A_23 = tpu.memref_squeeze %dma_start3A_22 : memref<1x325x64xf32, #tpu.memory_space<hbm>> -> memref<325x64xf32, #tpu.memory_space<hbm>>
        tpu.enqueue_dma source(%arg7 : memref<325x64xf32, #tpu.memory_space<vmem>>) target(%dma_start3A_23 : memref<325x64xf32, #tpu.memory_space<hbm>>) target_semaphore(%run_scoped3A : memref<!tpu.dma_semaphore, #tpu.memory_space<semaphore_mem>>)
        %dma_wait3A = arith.constant 0 : i32
        %dma_wait3A_24 = arith.constant 0 : i32
        %dma_wait3A_25 = tpu.memref_slice %arg4[%add3A_10, %dma_wait3A, %dma_wait3A_24] : memref<384x325x64xf32, #tpu.memory_space<hbm>> -> memref<1x325x64xf32, #tpu.memory_space<hbm>>
        %dma_wait3A_26 = tpu.memref_squeeze %dma_wait3A_25 : memref<1x325x64xf32, #tpu.memory_space<hbm>> -> memref<325x64xf32, #tpu.memory_space<hbm>>
        %dma_wait3A_27 = arith.constant 0 : i32
        %dma_wait3A_28 = arith.constant 0 : i32
        %dma_wait3A_29 = tpu.memref_slice %arg4[%add3A_10, %dma_wait3A_27, %dma_wait3A_28] : memref<384x325x64xf32, #tpu.memory_space<hbm>> -> memref<1x325x64xf32, #tpu.memory_space<hbm>>
        %dma_wait3A_30 = tpu.memref_squeeze %dma_wait3A_29 : memref<1x325x64xf32, #tpu.memory_space<hbm>> -> memref<325x64xf32, #tpu.memory_space<hbm>>
        tpu.wait_dma2 semaphore(%run_scoped3A : memref<!tpu.dma_semaphore, #tpu.memory_space<semaphore_mem>>) src(%arg7 : memref<325x64xf32, #tpu.memory_space<vmem>>) dst(%dma_wait3A_30 : memref<325x64xf32, #tpu.memory_space<hbm>>)
        tpu.yield
      }) : () -> ()
    }
    %scan3A_6 = arith.constant 12 : i32
    return
  }
}

module attributes {stable_mosaic.version = 14 : i64} {
  func.func @_tc_body(%arg0: i32, %arg1: memref<2600x64xf32, #tpu.memory_space<vmem>>, %arg2: memref<64x80xf32, #tpu.memory_space<vmem>>, %arg3: memref<2600x80xf32, #tpu.memory_space<vmem>>) attributes {dimension_semantics = [#tpu.dimension_semantics<arbitrary>], iteration_bounds = array<i64: 48>, scalar_prefetch = 0 : i64, scratch_operands = 0 : i64, tpu.core_type = #tpu.core_type<tc>, window_params = [{transform_indices = @transform_0, window_bounds = array<i64: 2600, 64>}, {pipeline_mode = #tpu.pipeline_mode<synchronous>, transform_indices = @transform_1, window_bounds = array<i64: 64, 80>}, {transform_indices = @transform_2, window_bounds = array<i64: 2600, 80>}]} {
    %get3A = arith.constant 0 : index
    %get3A_0 = arith.constant 0 : index
    %get3A_1 = vector.load %arg1[%get3A, %get3A_0] : memref<2600x64xf32, #tpu.memory_space<vmem>>, vector<2600x64xf32>
    %get3A_2 = arith.constant 0 : index
    %get3A_3 = arith.constant 0 : index
    %get3A_4 = vector.load %arg2[%get3A_2, %get3A_3] : memref<64x80xf32, #tpu.memory_space<vmem>>, vector<64x80xf32>
    %dot_general3A = arith.constant dense<0.000000e+00> : vector<2600x80xf32>
    %dot_general3A_5 = tpu.matmul %get3A_1, %get3A_4, %dot_general3A {dimension_numbers = #tpu.dot_dimension_numbers<[1], [0], [0], [1], [0, 0, 1, 1], [], []>, transpose_lhs_hint = false} : vector<2600x64xf32>, vector<64x80xf32>, vector<2600x80xf32> -> vector<2600x80xf32>
    %swap3A = arith.constant 0 : index
    %swap3A_6 = arith.constant 0 : index
    %swap3A_7 = vector.load %arg3[%swap3A, %swap3A_6] : memref<2600x80xf32, #tpu.memory_space<vmem>>, vector<2600x80xf32>
    tpu.vector_store %arg3[%swap3A, %swap3A_6], %dot_general3A_5 {strides = array<i32>} : memref<2600x80xf32, #tpu.memory_space<vmem>>, vector<2600x80xf32>,
    return
  }
  func.func @transform_0(%arg0: i32) -> (i32, i32) {
    %c0_i32 = arith.constant 0 : i32
    %c0_i32_0 = arith.constant 0 : i32
    return %arg0, %c0_i32 : i32, i32
  }
  func.func @transform_1(%arg0: i32) -> (i32, i32) {
    %c0_i32 = arith.constant 0 : i32
    %c0_i32_0 = arith.constant 0 : i32
    %c0_i32_1 = arith.constant 0 : i32
    return %c0_i32, %c0_i32_0 : i32, i32
  }
  func.func @transform_2(%arg0: i32) -> (i32, i32) {
    %c0_i32 = arith.constant 0 : i32
    %c0_i32_0 = arith.constant 0 : i32
    return %arg0, %c0_i32 : i32, i32
  }
}

</mosaic_0001>

<sc_bundles>
// kernel: kernel.4.cloned.1.call-start
scs
__scs_entry_jumppad:
0x0: {  	(pc) =	sbr.rel $0x88, $3  }
0x1: {  	(tag) =	ssettag $0x0;
	lr =	simm.s32 $0x1  }
0x2: {  	[smem:$0x3F9D] =	sst lr;
	_ =	strace $0xD0000000  }
0x3: {  	_ = 	snop  }
0x4: {  	_ = 	snop  }
0x5: {  	_ = 	snop  }
0x6: {  	_ = 	snop  }
0x7: {  	_ = 	snop  }
__scs_overlays_trampoline_lowered:
0x8: {  	[smem:$0x3FAC] =	sst s0  }
0x9: {  	[smem:$0x3FAD] =	sst s1  }
0xa: {  	[smem:$0x3FAE] =	sst s2  }
0xb: {  	[smem:$0x3FAF] =	sst s3  }
0xc: {  	[smem:$0x3FB0] =	sst s4  }
0xd: {  	[smem:$0x3FB1] =	sst s5  }
0xe: {  	[smem:$0x3FB2] =	sst s6  }
0xf: {  	[smem:$0x3FB3] =	sst s7  }
0x10: {  	[smem:$0x3FB4] =	sst s8  }
0x11: {  	[smem:$0x3FB5] =	sst s9;
	s0 =	simm.s32 @!p0 $0x0  }
0x12: {  	s1 =	sld [smem:$0x3F9B];
	s0 =	simm.s32 @p0 $0x1  }
0x13: {  	[smem:$0x3FB6] =	sst s0;
	s0 =	simm.s32 @!p1 $0x0  }
0x14: {  	s2 =	sld [smem:$0x3F9A];
	s0 =	simm.s32 @p1 $0x1  }
0x15: {  	[smem:$0x3FB7] =	sst s0;
	s0 =	simm.s32 @!p2 $0x0  }
0x16: {  	s3 =	sld [smem:$0x3FDB];
	s0 =	simm.s32 @p2 $0x1  }
0x17: {  	s4 =	simm.s32 $0x1BF5;
	[smem:$0x3FB9] =	sst s0  }
0x18: {  	s0 =	sld [smem:$0x3F9C];
	_ =	swait.ge [sflag:s4], $0x0  }
0x19: {  	s7 =	sld [smem:$0x3F9D]  }
0x1a: {  	s8 =	sadd.s32 $0xFFFFE003, lr  }
0x1b: {  	s9 =	sadd.s32 $0xFFFFFEF7, lr;
	s5 =	simm.s32 $0xFFFFFFFF;
	p2 =	slt.u32 s8, $0xFFFFF086  }
0x1c: {  	p1 =	slt.u32 s9, $0xF7A;
	s5 =	simm.s32 @!p2 $0x0  }
0x1d: {  	s5 =	simm.s32 @p1 $0x1;
	p0 =	seq.s32 s7, s2  }
0x1e: {  	s7 =	smul.u32 @!p0 $0xF7A, s2;
	p2 =	seq.s32 @!p0 s5, $0x0  }
0x1f: {  	s9 =	smul.u32 $0xF7A, s1;
	s8 =	simm.s32 @!p0 $0x1BF5;
	p2 =	por !p2, p0  }
0x20: {  	[sflag:s8] =	ssyncset.s32 @!p0 $0xFFFFF086;
	s6 =	sadd.s32 @!p0 s3, s7;
	s7 =	simm.s32 @!p0 $0x108  }
0x21: {  	s3 =	sadd.s32 s3, s9;
	s6 =	sadd.s32 @!p0 $0x88, s6;
	s7 =	simm.s32 @p2 $0x1082  }
0x22: {  	[simem:s7], [sflag:s8] =	dma.local @!p0 [hbm:s6], $0xF7A  }
0x23: {  	s9 =	sor.u32 $0xD0000000, s2;
	s6 =	simm.s32 $0x108;
	_ =	swait.ge @!p0 [sflag:s8], $0x0  }
0x24: {  	s3 =	sadd.s32 $0x88, s3;
	s6 =	simm.s32 @!p1 $0x1082;
	[sflag:s4] =	ssyncset.s32 $0xFFFFF086  }
0x25: {  	[simem:s6], [sflag:s4] =	dma.local [hbm:s3], $0xF7A  }
0x26: {  	[smem:$0x3F9D] =	sst s1;
	(tag) =	ssettag s2;
	_ =	strace s9  }
0x27: {  	s1 =	sld [smem:$0x3FAD]  }
0x28: {  	s2 =	sld [smem:$0x3FAE]  }
0x29: {  	s4 =	sld [smem:$0x3FB0]  }
0x2a: {  	p0 =	seq.s32 s5, $0x0;
	s5 =	sld [smem:$0x3FB1]  }
0x2b: {  	s6 =	sld [smem:$0x3FB2]  }
0x2c: {  	s7 =	sld [smem:$0x3FB3]  }
0x2d: {  	s3 =	simm.s32 $0x108;
	s8 =	sld [smem:$0x3FB4]  }
0x2e: {  	s3 =	simm.s32 @!p0 $0x1082;
	s9 =	sld [smem:$0x3FB5]  }
0x2f: {  	lr =	sadd.s32 s0, s3;
	s0 =	sld [smem:$0x3FAC]  }
0x30: {  	s3 =	sld [smem:$0x3FAF]  }
0x31: {  	[smem:$0x3FB8] =	sst s10  }
0x32: {  	s10 =	sld [smem:$0x3FB6];
	_ =	sdelay $0x3  }
0x33: {  	p0 =	seq.s32 s10, $0x1;
	s10 =	sld [smem:$0x3FB8];
	_ =	sdelay $0x3  }
0x34: {  	[smem:$0x3FB8] =	sst s10  }
0x35: {  	s10 =	sld [smem:$0x3FB7];
	_ =	sdelay $0x3  }
0x36: {  	p1 =	seq.s32 s10, $0x1;
	s10 =	sld [smem:$0x3FB8];
	_ =	sdelay $0x3  }
0x37: {  	[smem:$0x3FB8] =	sst s10  }
0x38: {  	s10 =	sld [smem:$0x3FB9]  }
0x39: {  	_ = 	snop;
	(pc) =	sbr.ind lr, $3  }
0x3a: {  	_ = 	snop  }
0x3b: {  	_ = 	snop  }
0x3c: {  	p2 =	seq.s32 s10, $0x1;
	s10 =	sld [smem:$0x3FB8]  }
0x3d: {  	_ =	shalt  }
0x3e: {  	_ =	shalt  }
0x3f: {  	_ =	shalt  }
0x40: {  	_ =	shalt  }
0x41: {  	_ =	shalt  }
0x42: {  	_ =	shalt  }
0x43: {  	_ =	shalt  }
0x44: {  	_ =	shalt  }
0x45: {  	_ =	shalt  }
0x46: {  	_ =	shalt  }
0x47: {  	_ =	shalt  }
0x48: {  	_ =	shalt  }
0x49: {  	_ =	shalt  }
0x4a: {  	_ =	shalt  }
0x4b: {  	_ =	shalt  }
0x4c: {  	_ =	shalt  }
0x4d: {  	_ =	shalt  }
0x4e: {  	_ =	shalt  }
0x4f: {  	_ =	shalt  }
0x50: {  	_ =	shalt  }
0x51: {  	_ =	shalt  }
0x52: {  	_ =	shalt  }
0x53: {  	_ =	shalt  }
0x54: {  	_ =	shalt  }
0x55: {  	_ =	shalt  }
0x56: {  	_ =	shalt  }
0x57: {  	_ =	shalt  }
0x58: {  	_ =	shalt  }
0x59: {  	_ =	shalt  }
0x5a: {  	_ =	shalt  }
0x5b: {  	_ =	shalt  }
0x5c: {  	_ =	shalt  }
0x5d: {  	_ =	shalt  }
0x5e: {  	_ =	shalt  }
0x5f: {  	_ =	shalt  }
0x60: {  	_ =	shalt  }
0x61: {  	_ =	shalt  }
0x62: {  	_ =	shalt  }
0x63: {  	_ =	shalt  }
0x64: {  	_ =	shalt  }
0x65: {  	_ =	shalt  }
0x66: {  	_ =	shalt  }
0x67: {  	_ =	shalt  }
0x68: {  	_ =	shalt  }
0x69: {  	_ =	shalt  }
0x6a: {  	_ =	shalt  }
0x6b: {  	_ =	shalt  }
0x6c: {  	_ =	shalt  }
0x6d: {  	_ =	shalt  }
0x6e: {  	_ =	shalt  }
0x6f: {  	_ =	shalt  }
0x70: {  	_ =	shalt  }
0x71: {  	_ =	shalt  }
0x72: {  	_ =	shalt  }
0x73: {  	_ =	shalt  }
0x74: {  	_ =	shalt  }
0x75: {  	_ =	shalt  }
0x76: {  	_ =	shalt  }
0x77: {  	_ =	shalt  }
0x78: {  	_ =	shalt  }
0x79: {  	_ =	shalt  }
0x7a: {  	_ =	shalt  }
0x7b: {  	_ =	shalt  }
0x7c: {  	_ =	shalt  }
0x7d: {  	_ =	shalt  }
0x7e: {  	_ =	shalt  }
0x7f: {  	_ =	shalt  }
0x80: {  	_ =	shalt  }
0x81: {  	_ =	shalt  }
0x82: {  	_ =	shalt  }
0x83: {  	_ =	shalt  }
0x84: {  	_ =	shalt  }
0x85: {  	_ =	shalt  }
0x86: {  	_ =	shalt  }
0x87: {  	_ =	shalt  }
.Lfunc_end0:
.L_simem_size_0:
called_computation_lowered:
.L_overlay_start_0:
0x88: {  	s2 =	sld [smem:$0x3FD9]  }
0x89: {  	s3 =	sld [smem:$0x3FFE];
	_ =	sdelay $0x1  }
0x8a: {  	s1 =	srdreg.scid  }
0x8b: {  	s0 =	sand.u32 $0x1, s1  }
0x8c: {  	s17 =	sshll.u32 s0, $0xA;
	s2 =	sadd.s32 s3, s2  }
0x8d: {  	s2 =	sadd.s32 s2, s17  }
0x8e: {  	[smem:$0x3FC4] =	sst s2  }
0x8f: {  	_ = 	snop  }
0x90: {  	s2 =	sld [smem:$0x3FD0];
	(tm) =	ssettm $0x1  }
0x91: {  	s18 =	sld [smem:$0x3FFB];
	_ =	sdelay $0x3  }
0x92: {  	_ =	strace s18  }
0x93: {  	s3 =	sld [smem:$0x3FFC];
	_ =	sdelay $0x3  }
0x94: {  	_ =	strace s3  }
0x95: {  	s3 =	sld [smem:$0x3FFD];
	_ =	sdelay $0x3  }
0x96: {  	_ =	strace s3  }
0x97: {  	_ =	strace $0x8FFFFFFF  }
0x98: {  	s19 =	sld [smem:$0x3FDB];
	_ =	sdelay $0x1  }
0x99: {  	s4 =	simm.s32 $_scs_section_size  }
0x9a: {  	s5 =	simm.s32 $_size__tile_overlayer_lowered;
	s6 =	simm.s32 $_tile_overlayer_lowered  }
0x9b: {  	s22 =	simm.s32 $0x1BFF;
	s21 =	sshll.u32 s6, $0x1;
	s3 =	sadd.s32 s4, s19  }
0x9c: {  	s7 =	simm.s32 $0x0;
	s20 =	sshll.u32 s5, $0x1;
	s5 =	sadd.s32 s21, s3  }
0x9d: {  	[timem:s7], [sflag:s22] =	dma.local [hbm:s5], s20  }
0x9e: {  	_ =	swait.ge [sflag:s22], s20  }
0x9f: {  	s4 =	ssub.s32 $0x0, s20;
	[sflag:s22] =	ssyncset.done $0x0  }
0xa0: {  	[sflag:s22] =	ssyncadd.s32 s4;
	_ =	sdelay $0x1  }
0xa1: {  	s23 =	simm.s32 $0x1B8B  }
0xa2: {  	_ =	swait.ge [sflag:s23], $0x1  }
0xa3: {  	[sflag:s23] =	ssyncset.done $0x0  }
0xa4: {  	s25 =	simm.s32 $0x1B8E;
	s24 =	sld [smem:$0x3FFE];
	[sflag:s23] =	ssyncadd.s32 $0xFFFFFFFF  }
0xa5: {  	s26 =	simm.s32 $execute0_lowered;
	[smem:$0x3FD2] =	sst s25  }
0xa6: {  	s5 =	sshll.u32 s26, $0x1;
	_ =	strace $0x80000046;
	[dreg:$0x1] =	wrdreg $0xFFFFFFFF  }
0xa7: {  	s28 =	simm.s32 $_size_execute0_lowered;
	s3 =	sadd.s32 s3, s5;
	[dreg:$0x0] =	wrdreg $0x0  }
0xa8: {  	s5 =	sshll.u32 s28, $0x1;
	[dreg:$0x2] =	wrdreg s3  }
0xa9: {  	[dreg:$0x3] =	wrdreg s5  }
0xaa: {  	[dreg:$0x4] =	wrdreg $0xC0  }
0xab: {  	_ =	task [dreg:s7], $0x5FFFF  }
0xac: {  	[dreg:$0x1] =	wrdreg $0xFFFFFFFF  }
0xad: {  	[dreg:$0x0] =	wrdreg $0x60  }
0xae: {  	[dreg:$0x2] =	wrdreg s24  }
0xaf: {  	[dreg:$0x3] =	wrdreg s2  }
0xb0: {  	[dreg:$0x4] =	wrdreg $0x9  }
0xb1: {  	_ =	task.clear_ibuf [dreg:s7], $0x5FFFF;
	_ =	strace $0x90000046  }
0xb2: {  	s29 =	simm.s32 $0x9;
	_ =	strace $0x80000048  }
0xb3: {  	_ =	swait.ge [sflag:s29], $0x1  }
0xb4: {  	[sflag:s29] =	ssyncadd.s32 $0xFFFFFFFF  }
0xb5: {  	_ =	strace $0x90000048  }
0xb6: {  	_ =	sfence  }
0xb7: {  	s30 =	sld [smem:$0x0];
	_ =	sdelay $0x2  }
0xb8: {  	s31 =	sshll.u32 s1, $0xD;
	s1 =	sshrl.u32 s1, $0x2  }
0xb9: {  	s3 =	sand.u32 $0x4000, s31;
	s1 =	sadd.s32 s1, s30  }
0xba: {  	s0 =	sor.u32 s3, s0;
	s1 =	sshll.u32 s1, $0x11  }
0xbb: {  	s0 =	sor.u32 s1, s0  }
0xbc: {  	s0 =	sadd.s32 $0x8F2B, s0  }
0xbd: {  	[sflag:s0] =	ssyncadd.remote.s32 $0x1  }
0xbe: {  	_ =	sfence.sel $0xFFFF  }
0xbf: {  	[dreg:$0x0] =	wrdreg $0xFFFFFFFF;
	(pc) =	sbr.abs _section_cstart, $3  }
0xc0: {  	[dreg:$0x1] =	wrdreg $0xFFFFFFFF  }
0xc1: {  	_ =	task.clear_ibuf [dreg:s7], $0x2FFFF;
	_ =	strace $0x9FFFFFFF  }
0xc2: {  	(tm) =	ssettm $0x7FFFFFFF  }
0xc3: {  	_ =	shalt  }
tec
execute0_lowered:
.L_overlay_start_1:
0x0: {  	(tag) =	ssettag $0x1  }
0x1: {  	s0 =	rddreg [dreg:$0x0]  }
0x2: {  	s1 =	rddreg [dreg:$0x1];
	s2 =	simm.s32 $0x0  }
0x3: {  	s3 =	srdreg.scid;
	s10 =	simm.s32 $0x14800;
	s11 =	simm.s32 $0x0  }
0x4: {  	[smem:$0x7FF] =	sst s2;
	s6 =	sand.u32 $0x1, s3;
	s3 =	stileid.u32  }
0x5: {  	s4 =	sadd.s32 $0x1E7E00, s0;
	s5 =	sadd.s32 $0x3D3E00, s0;
	s7 =	ssub.s32 $0x2, s6  }
0x6: {  	_ =	strace $0x80000047;
	s9 =	sshll.u32 s3, $0x1;
	s8 =	sshrl.u32 s7, $0x1  }
0x7: {  	s6 =	sor.u32 s6, s9;
	s9 =	simm.s32 $0xA400;
	s31 =	ssub.s32 s7, s8  }
0x8: {  	s6 =	smul.u32 $0xC, s6;
	s8 =	simm.s32 $0x1;
	s7 =	smax.u32 s31, $0x1  }
.LBB2_1:
0x9: {  	[tilespmem:s2], [sflag:$0x1] =	stream.linear.gather [hbm4b:s1+s2], $0xA280, $0x38;
	[tilespmem:$0x1EC00] =	vst v63  }
0xa: {  	_ =	swait.ge [sflag:s8], $0xA280  }
0xb: {  	[sflag:s8] =	ssyncset.done $0x0  }
0xc: {  	s12 =	simm.s32 $0x0;
	[sflag:s8] =	ssyncadd.s32 $0xFFFF5D80  }
.LBB2_2:
0xd: {  	s0 =	sadd.s32 s6, s12  }
0xe: {  	s13 =	smul.u32 $0x1480, s0;
	_ =	sdelay $0x1  }
0xf: {  	s14 =	simm.s32 $0x0;
	s0 =	sadd.s32 s4, s13  }
0x10: {  	[tilespmem:s9], [sflag:$0x1] =	stream.linear.gather [hbm4b:s0+s14], $0xA280, $0x38;
	[tilespmem:$0x1EC00] =	vst v63  }
0x11: {  	_ =	swait.ge [sflag:s8], $0xA280  }
0x12: {  	[sflag:s8] =	ssyncset.done $0x0  }
0x13: {  	s14 =	simm.s32 $0x0;
	[sflag:s8] =	ssyncadd.s32 $0xFFFF5D80  }
0x14: {  	v0 =	vld [tilespmem:s14+$0x0];
	_ =	sdelay $0x4  }
0x15: {  	v1 =	vshll.u32 v0, $0x7  }
0x16: {  	v1 =	vor.u32 $0x40, v1;
	_ =	sdelay $0x4  }
0x17: {  	v1 =	vld.idx.msk [tilespmem:v1+s9+$0x0], $0xffff;
	_ =	sdelay $0x4  }
0x18: {  	(xrf0) =	vmax.scan.msk.f32 $0xffff, v1;
	_ =	sdelay $0x2  }
0x19: {  	v0 =	vshll.u32 v0, $0x9;
	_ =	sdelay $0x2  }
0x1a: {  	v6 =	vshra.s32 v0, $0x2;
	v0, _, _ =	vpop (xrf0)  }
0x1b: {  	v0 =	vbroadcast v0, $0xF;
	_ =	sdelay $0x1  }
0x1c: {  	v0 =	vsub.f32 v1, v0;
	_ =	sdelay $0x1  }
0x1d: {  	v0 =	vmul.f32 $1.442695020e+00, v0;
	_ =	sdelay $0x1  }
0x1e: {  	(erf) = vpow2.f32 v0;
	_ =	sdelay $0x3  }
0x1f: {  	(v2sf) =	vpush v6, $0x1;
	_ =	sdelay $0x3  }
0x20: {  	(v2sf) =	vpush v6, $0x2  }
0x21: {  	v0 =	vpop (erf)  }
0x22: {  	(xrf2) =	vadd.scan.msk.f32 $0xffff, v0;
	_ =	sdelay $0x1  }
0x23: {  	(v2sf) =	vpush v6, $0x3;
	_ =	sdelay $0x2  }
0x24: {  	(v2sf) =	vpush v6, $0x0;
	_ =	sdelay $0x3  }
0x25: {  	(v2sf) =	vpush v6, $0x7;
	s25 =	spop (v2sf)  }
0x26: {  	(v2sf) =	vpush v6, $0x8;
	v22 =	vld [tilespmem:s25+$0xA430];
	v1, _, _ =	vpop (xrf2)  }
0x27: {  	(v2sf) =	vpush v6, $0x5;
	v16 =	vld [tilespmem:s25+$0xA400];
	v1 =	vbroadcast v1, $0xF  }
0x28: {  	v11 =	vld [tilespmem:s25+$0xA420]  }
0x29: {  	s26 =	spop (v2sf);
	v26 =	vld [tilespmem:s25+$0xA410];
	(erf) = vrcp.f32 v1  }
0x2a: {  	v15 =	vld [tilespmem:s26+$0xA410]  }
0x2b: {  	v20 =	vld [tilespmem:s26+$0xA400]  }
0x2c: {  	v30 =	vld [tilespmem:s26+$0xA430]  }
0x2d: {  	s18 =	spop (v2sf);
	v32 =	vld [tilespmem:s26+$0xA420]  }
0x2e: {  	(v2sf) =	vpush v6, $0x4;
	v7 =	vld [tilespmem:s18+$0xA410]  }
0x2f: {  	(v2sf) =	vpush v6, $0x6;
	v14 =	vld [tilespmem:s18+$0xA430]  }
0x30: {  	s22 =	spop (v2sf);
	v42 =	vld [tilespmem:s18+$0xA400]  }
0x31: {  	v12 =	vld [tilespmem:s22+$0xA410]  }
0x32: {  	v37 =	vld [tilespmem:s22+$0xA400];
	v1 =	vpop (erf)  }
0x33: {  	v40 =	vld [tilespmem:s22+$0xA430];
	v4 =	vmul.f32 v1, v0  }
0x34: {  	s28 =	spop (v2sf);
	v44 =	vld [tilespmem:s22+$0xA420]  }
0x35: {  	(v2sf) =	vpush v6, $0x9;
	s24 =	spop (v2sf);
	v10 =	vld [tilespmem:s28+$0xA420];
	v24 =	vbroadcast v4, $0x7  }
0x36: {  	(v2sf) =	vpush v6, $0xA;
	v19 =	vld [tilespmem:s28+$0xA430];
	s31 =	spop (v2sf);
	v0 =	vbroadcast v4, $0xF;
	v25 =	vbroadcast v4, $0x2  }
0x37: {  	(v2sf) =	vpush v6, $0xE;
	v5 =	vld [tilespmem:s31+$0xA420];
	v1 =	vbroadcast v4, $0xC;
	v28 =	vbroadcast v4, $0x6  }
0x38: {  	(v2sf) =	vpush v6, $0xB;
	v36 =	vld [tilespmem:s28+$0xA400];
	v27 =	vbroadcast v4, $0x8;
	v29 =	vbroadcast v4, $0x1  }
0x39: {  	(v2sf) =	vpush v6, $0xD;
	v23 =	vld [tilespmem:s24+$0xA410];
	v9 =	vbroadcast v4, $0x3;
	v31 =	vbroadcast v4, $0x0  }
0x3a: {  	v13 =	vld [tilespmem:s24+$0xA400];
	v33 =	vbroadcast v4, $0x5;
	v11 =	vmul.f32 v29, v11  }
0x3b: {  	v8 =	vld [tilespmem:s31+$0xA430];
	v34 =	vmul.f32 v25, v15;
	v35 =	vmul.f32 v25, v20  }
0x3c: {  	(v2sf) =	vpush v6, $0xC;
	v39 =	vld [tilespmem:s24+$0xA420];
	v5 =	vmul.f32 v5, v33;
	v26 =	vmul.f32 v29, v26  }
0x3d: {  	(v2sf) =	vpush v6, $0xF;
	s23 =	spop (v2sf);
	v57 =	vld [tilespmem:s31+$0xA400];
	v38 =	vmul.f32 v14, v9;
	v6 =	vmul.f32 v31, v12  }
0x3e: {  	v59 =	vld [tilespmem:s31+$0xA410];
	s21 =	spop (v2sf);
	v30 =	vmul.f32 v30, v25;
	v14 =	vmul.f32 v25, v32  }
0x3f: {  	v17 =	vld [tilespmem:s21+$0xA420];
	v52 =	vmul.f32 v7, v9;
	v12 =	vbroadcast v4, $0x4  }
0x40: {  	v41 =	vld [tilespmem:s23+$0xA410];
	v20 =	vmul.f32 v8, v33;
	v8 =	vmul.f32 v31, v37  }
0x41: {  	v21 =	vld [tilespmem:s21+$0xA410];
	v13 =	vmul.f32 v13, v27;
	v54 =	vmul.f32 v29, v16  }
0x42: {  	v43 =	vld [tilespmem:s23+$0xA400];
	v40 =	vmul.f32 v31, v40;
	v19 =	vmul.f32 v19, v24  }
0x43: {  	v25 =	vld [tilespmem:s24+$0xA430];
	v10 =	vmul.f32 v10, v24;
	v22 =	vmul.f32 v29, v22  }
0x44: {  	s19 =	spop (v2sf);
	v18 =	vld [tilespmem:s21+$0xA400];
	v29 =	vmul.f32 v42, v9;
	v17 =	vmul.f32 v17, v28  }
0x45: {  	s20 =	spop (v2sf);
	v15 =	vld [tilespmem:s28+$0xA410];
	v31 =	vmul.f32 v31, v44;
	v6 =	vadd.f32 $0.0e+00, v6;
	v55 =	vadd.f32 $0.0e+00, v8  }
0x46: {  	v53 =	vld [tilespmem:s23+$0xA430];
	s15 =	spop (v2sf);
	v21 =	vmul.f32 v21, v28;
	v8 =	vmul.f32 v23, v27  }
0x47: {  	v58 =	vld [tilespmem:s21+$0xA430];
	s17 =	spop (v2sf);
	v56 =	vmul.f32 v41, v12;
	v26 =	vadd.f32 v6, v26;
	v23 =	vadd.f32 v55, v54  }
0x48: {  	v3 =	vld [tilespmem:s19+$0xA430];
	s16 =	spop (v2sf);
	v60 =	vmul.f32 v43, v12;
	v16 =	vmul.f32 v25, v27;
	v25 =	vadd.f32 $0.0e+00, v40  }
0x49: {  	v2 =	vld [tilespmem:s16+$0xA430];
	v6 =	vmul.f32 v39, v27;
	v26 =	vadd.f32 v26, v34;
	v27 =	vadd.f32 v23, v35  }
0x4a: {  	v7 =	vmul.f32 v15, v24;
	v23 =	vmul.f32 v18, v28;
	v18 =	vld [tilespmem:s17+$0xA400];
	v22 =	vadd.f32 v25, v22  }
0x4b: {  	v15 =	vmul.f32 v36, v24;
	v25 =	vld [tilespmem:s19+$0xA400];
	v61 =	vadd.f32 v27, v29;
	v63 =	vadd.f32 v26, v52  }
0x4c: {  	v24 =	vmul.f32 v53, v12;
	v27 =	vld [tilespmem:s18+$0xA420];
	v29 =	vadd.f32 $0.0e+00, v31;
	v62 =	vadd.f32 v22, v30  }
0x4d: {  	s22 =	spop (v2sf);
	v26 =	vmul.f32 v58, v28;
	v28 =	vld [tilespmem:s20+$0xA430];
	v30 =	vmul.f32 v57, v33;
	v34 =	vadd.f32 v60, v61  }
0x4e: {  	s21 =	spop (v2sf);
	s18 =	simm.s32 $0x200;
	v22 =	vld [tilespmem:s17+$0xA430];
	v33 =	vmul.f32 v59, v33;
	v31 =	vadd.f32 v56, v63;
	v32 =	vadd.f32 v38, v62  }
.LBB2_3:
0x4f: {  	p0 =	sne.s32 s18, $0x28800;
	v30 =	vadd.f32 v30, v34;
	v34 =	vbroadcast v4, $0x9;
	v35 =	vbroadcast v4, $0xA;
	v36 =	vld [tilespmem:s15+$0xA400];
	s0 =	smov.u32 s18;
	s18 =	sadd.s32 $0x200, s18  }
0x50: {  	v37 =	vld [tilespmem:s23+$0xA420];
	v24 =	vadd.f32 v24, v32;
	v31 =	vadd.f32 v33, v31;
	v32 =	vbroadcast v4, $0xB  }
0x51: {  	v11 =	vadd.f32 v29, v11;
	v9 =	vmul.f32 v27, v9;
	v25 =	vmul.f32 v25, v34;
	v27 =	vld [tilespmem:s15+$0xA430]  }
0x52: {  	v29 =	vbroadcast v4, $0xD;
	v23 =	vadd.f32 v23, v30;
	v20 =	vadd.f32 v20, v24;
	v24 =	vld [tilespmem:s16+$0xA400]  }
0x53: {  	v4 =	vbroadcast v4, $0xE;
	v11 =	vadd.f32 v11, v14;
	v14 =	vld [tilespmem:s20+$0xA400];
	v28 =	vmul.f32 v28, v35  }
0x54: {  	v3 =	vmul.f32 v3, v34;
	v15 =	vadd.f32 v15, v23;
	v20 =	vadd.f32 v26, v20;
	v23 =	vld [tilespmem:s22+$0xA430]  }
0x55: {  	v9 =	vadd.f32 v9, v11;
	v26 =	vmul.f32 v36, v4;
	v11 =	vmul.f32 v37, v12;
	v12 =	vld [tilespmem:s22+$0xA400]  }
0x56: {  	v13 =	vadd.f32 v13, v15;
	v19 =	vadd.f32 v19, v20;
	v15 =	vld [tilespmem:s19+$0xA420];
	v20 =	vmul.f32 v27, v4  }
0x57: {  	v22 =	vmul.f32 v22, v32;
	v9 =	vadd.f32 v11, v9;
	v11 =	vld [tilespmem:s20+$0xA420];
	v24 =	vmul.f32 v24, v29  }
0x58: {  	v21 =	vadd.f32 v21, v31;
	v16 =	vadd.f32 v16, v19;
	v14 =	vmul.f32 v14, v35;
	v19 =	vld [tilespmem:s20+$0xA410]  }
0x59: {  	v2 =	vmul.f32 v2, v29;
	s20 =	sshra.s32 s0, $0x2;
	v5 =	vadd.f32 v5, v9;
	v9 =	vld [tilespmem:s19+$0xA410];
	v23 =	vmul.f32 v23, v1  }
0x5a: {  	v7 =	vadd.f32 v7, v21;
	v27 =	vld [tilespmem:s20+$0x0];
	v3 =	vadd.f32 v3, v16;
	v16 =	vmul.f32 v18, v32  }
0x5b: {  	v12 =	vmul.f32 v12, v1;
	v5 =	vadd.f32 v17, v5;
	v15 =	vmul.f32 v15, v34;
	v17 =	vld [tilespmem:s21+$0xA430]  }
0x5c: {  	v7 =	vadd.f32 v8, v7;
	v8 =	vmul.f32 v11, v35;
	v3 =	vadd.f32 v28, v3;
	v11 =	vld [tilespmem:s17+$0xA420]  }
0x5d: {  	v5 =	vadd.f32 v10, v5;
	v10 =	vadd.f32 v25, v13;
	v13 =	vmul.f32 v19, v35;
	v18 =	vld [tilespmem:s22+$0xA420]  }
0x5e: {  	v9 =	vmul.f32 v9, v34;
	v19 =	vld [tilespmem:s17+$0xA410];
	v3 =	vadd.f32 v22, v3  }
0x5f: {  	v21 =	vshll.u32 v27, $0x7;
	v5 =	vadd.f32 v6, v5;
	v6 =	vadd.f32 v14, v10;
	v10 =	vld [tilespmem:s16+$0xA420]  }
0x60: {  	v14 =	vor.u32 $0x40, v21;
	v21 =	vld [tilespmem:s22+$0xA410];
	v3 =	vadd.f32 v23, v3;
	v17 =	vmul.f32 v17, v0  }
0x61: {  	v7 =	vadd.f32 v9, v7;
	v5 =	vadd.f32 v15, v5;
	v9 =	vmul.f32 v11, v32;
	v11 =	vld [tilespmem:s15+$0xA420]  }
0x62: {  	v6 =	vadd.f32 v16, v6;
	v15 =	vmul.f32 v18, v1;
	v16 =	vld [tilespmem:s16+$0xA410];
	v2 =	vadd.f32 v2, v3  }
0x63: {  	v3 =	vadd.f32 v13, v7;
	v5 =	vadd.f32 v8, v5;
	v7 =	vmul.f32 v19, v32;
	v8 =	vld [tilespmem:s21+$0xA400]  }
0x64: {  	v6 =	vadd.f32 v12, v6;
	v10 =	vmul.f32 v10, v29;
	v12 =	vld [tilespmem:s15+$0xA410];
	v2 =	vadd.f32 v20, v2  }
0x65: {  	v3 =	vadd.f32 v7, v3;
	v5 =	vadd.f32 v9, v5;
	v1 =	vmul.f32 v21, v1;
	v7 =	vld [tilespmem:s21+$0xA420]  }
0x66: {  	v6 =	vadd.f32 v24, v6;
	v9 =	vmul.f32 v11, v4;
	v11 =	vld [tilespmem:s21+$0xA410];
	v2 =	vadd.f32 v17, v2  }
0x67: {  	v1 =	vadd.f32 v1, v3;
	v3 =	vadd.f32 v15, v5;
	v5 =	vmul.f32 v16, v29  }
0x68: {  	v13 =	vshll.u32 v27, $0x9;
	v6 =	vadd.f32 v26, v6;
	v8 =	vmul.f32 v8, v0;
	[tilespmem:s14+$0x14830] =	vst v2  }
0x69: {  	v1 =	vadd.f32 v5, v1;
	v2 =	vadd.f32 v10, v3;
	v3 =	vmul.f32 v12, v4  }
0x6a: {  	v4 =	vshra.s32 v13, $0x2;
	v5 =	vadd.f32 v8, v6;
	v6 =	vmul.f32 v7, v0  }
0x6b: {  	v1 =	vadd.f32 v3, v1;
	v2 =	vadd.f32 v9, v2;
	v0 =	vmul.f32 v11, v0  }
0x6c: {  	(v2sf) =	vpush v4, $0x1;
	[tilespmem:s14+$0x14800] =	vst v5  }
0x6d: {  	v0 =	vadd.f32 v0, v1;
	v1 =	vadd.f32 v6, v2  }
0x6e: {  	(v2sf) =	vpush v4, $0x2  }
0x6f: {  	(v2sf) =	vpush v4, $0x3;
	[tilespmem:s14+$0x14810] =	vst v0  }
0x70: {  	(v2sf) =	vpush v4, $0x0;
	[tilespmem:s14+$0x14820] =	vst v1;
	s14 =	smov.u32 s20  }
0x71: {  	v0 =	vld.idx.msk [tilespmem:v14+s9+$0x0], $0xffff;
	(v2sf) =	vpush v4, $0x7  }
0x72: {  	(v2sf) =	vpush v4, $0x8  }
0x73: {  	(v2sf) =	vpush v4, $0x5  }
0x74: {  	(v2sf) =	vpush v4, $0x4  }
0x75: {  	(v2sf) =	vpush v4, $0x6  }
0x76: {  	(v2sf) =	vpush v4, $0x9  }
0x77: {  	(xrf0) =	vmax.scan.msk.f32 $0xffff, v0;
	(v2sf) =	vpush v4, $0xA  }
0x78: {  	(v2sf) =	vpush v4, $0xE  }
0x79: {  	(v2sf) =	vpush v4, $0xB  }
0x7a: {  	(v2sf) =	vpush v4, $0xD  }
0x7b: {  	s0 =	spop (v2sf);
	(v2sf) =	vpush v4, $0xC  }
0x7c: {  	(v2sf) =	vpush v4, $0xF  }
0x7d: {  	v1, _, _ =	vpop (xrf0);
	s31 =	spop (v2sf)  }
0x7e: {  	v1 =	vbroadcast v1, $0xF;
	s24 =	spop (v2sf)  }
0x7f: {  	s26 =	spop (v2sf)  }
0x80: {  	v0 =	vsub.f32 v0, v1;
	s30 =	spop (v2sf)  }
0x81: {  	s29 =	spop (v2sf)  }
0x82: {  	v0 =	vmul.f32 $1.442695020e+00, v0;
	s25 =	spop (v2sf)  }
0x83: {  	s23 =	spop (v2sf)  }
0x84: {  	(erf) = vpow2.f32 v0;
	s28 =	spop (v2sf)  }
0x85: {  	s19 =	spop (v2sf)  }
0x86: {  	v3 =	vld [tilespmem:s19+$0xA430];
	s20 =	spop (v2sf)  }
0x87: {  	s15 =	spop (v2sf)  }
0x88: {  	s17 =	spop (v2sf)  }
0x89: {  	s16 =	spop (v2sf)  }
0x8a: {  	s22 =	spop (v2sf)  }
0x8b: {  	s21 =	spop (v2sf);
	_ =	sdelay $0x1  }
0x8c: {  	v0 =	vpop (erf)  }
0x8d: {  	(xrf2) =	vadd.scan.msk.f32 $0xffff, v0;
	_ =	sdelay $0x8  }
0x8e: {  	v2 =	vld [tilespmem:s16+$0xA430]  }
0x8f: {  	v21 =	vld [tilespmem:s28+$0xA410];
	v1, _, _ =	vpop (xrf2)  }
0x90: {  	v1 =	vbroadcast v1, $0xF;
	v18 =	vld [tilespmem:s28+$0xA400]  }
0x91: {  	v17 =	vld [tilespmem:s28+$0xA420]  }
0x92: {  	v22 =	vld [tilespmem:s0+$0xA430];
	(erf) = vrcp.f32 v1  }
0x93: {  	v10 =	vld [tilespmem:s30+$0xA420]  }
0x94: {  	v5 =	vld [tilespmem:s25+$0xA420]  }
0x95: {  	v6 =	vld [tilespmem:s25+$0xA430]  }
0x96: {  	v8 =	vld [tilespmem:s0+$0xA400]  }
0x97: {  	v16 =	vld [tilespmem:s30+$0xA430]  }
0x98: {  	v19 =	vld [tilespmem:s29+$0xA410]  }
0x99: {  	v13 =	vld [tilespmem:s29+$0xA400]  }
0x9a: {  	v7 =	vld [tilespmem:s24+$0xA410]  }
0x9b: {  	v12 =	vld [tilespmem:s26+$0xA410];
	v1 =	vpop (erf)  }
0x9c: {  	v4 =	vmul.f32 v1, v0;
	v11 =	vld [tilespmem:s0+$0xA420]  }
0x9d: {  	v14 =	vld [tilespmem:s24+$0xA430]  }
0x9e: {  	v15 =	vld [tilespmem:s31+$0xA410];
	v23 =	vbroadcast v4, $0x7;
	v0 =	vbroadcast v4, $0xF  }
0x9f: {  	v24 =	vbroadcast v4, $0x2;
	v1 =	vbroadcast v4, $0xC;
	v20 =	vld [tilespmem:s31+$0xA400]  }
0xa0: {  	v26 =	vbroadcast v4, $0x6;
	v27 =	vbroadcast v4, $0x8;
	v25 =	vld [tilespmem:s0+$0xA410]  }
0xa1: {  	v28 =	vbroadcast v4, $0x1;
	v9 =	vbroadcast v4, $0x3;
	v29 =	vld [tilespmem:s31+$0xA430]  }
0xa2: {  	v30 =	vbroadcast v4, $0x0;
	v33 =	vbroadcast v4, $0x5;
	v31 =	vld [tilespmem:s31+$0xA420]  }
0xa3: {  	v11 =	vmul.f32 v28, v11;
	v32 =	vmul.f32 v24, v15;
	v15 =	vld [tilespmem:s30+$0xA410]  }
0xa4: {  	v5 =	vmul.f32 v5, v33;
	v34 =	vmul.f32 v24, v20;
	v35 =	vld [tilespmem:s30+$0xA400]  }
0xa5: {  	v37 =	vmul.f32 v14, v9;
	v36 =	vld [tilespmem:s26+$0xA400];
	v25 =	vmul.f32 v28, v25  }
0xa6: {  	v12 =	vmul.f32 v30, v12;
	v29 =	vmul.f32 v29, v24;
	v38 =	vld [tilespmem:s29+$0xA420]  }
0xa7: {  	v39 =	vld [tilespmem:s26+$0xA430];
	v14 =	vmul.f32 v24, v31;
	v31 =	vmul.f32 v7, v9  }
0xa8: {  	v24 =	vadd.f32 $0.0e+00, v12;
	v12 =	vbroadcast v4, $0x4;
	v7 =	vmul.f32 v15, v23;
	v40 =	vld [tilespmem:s29+$0xA430]  }
0xa9: {  	v20 =	vmul.f32 v6, v33;
	v41 =	vld [tilespmem:s23+$0xA410];
	v15 =	vmul.f32 v35, v23  }
0xaa: {  	v13 =	vmul.f32 v13, v27;
	v24 =	vadd.f32 v24, v25;
	v35 =	vmul.f32 v30, v36;
	v25 =	vld [tilespmem:s23+$0xA430]  }
0xab: {  	v36 =	vmul.f32 v28, v8;
	v42 =	vld [tilespmem:s24+$0xA400];
	v6 =	vmul.f32 v38, v27  }
0xac: {  	v8 =	vmul.f32 v19, v27;
	v35 =	vadd.f32 $0.0e+00, v35;
	v38 =	vmul.f32 v30, v39;
	v39 =	vld [tilespmem:s23+$0xA400]  }
0xad: {  	v19 =	vmul.f32 v16, v23;
	v32 =	vadd.f32 v24, v32;
	v43 =	vld [tilespmem:s26+$0xA420];
	v16 =	vmul.f32 v40, v27  }
0xae: {  	v10 =	vmul.f32 v10, v23;
	v27 =	vadd.f32 v35, v36;
	v35 =	vmul.f32 v41, v12;
	v36 =	vld [tilespmem:s25+$0xA400]  }
0xaf: {  	v22 =	vmul.f32 v28, v22;
	v23 =	vadd.f32 $0.0e+00, v38;
	v24 =	vmul.f32 v25, v12;
	v28 =	vld [tilespmem:s28+$0xA430]  }
0xb0: {  	v17 =	vmul.f32 v17, v26;
	v25 =	vadd.f32 v27, v34;
	v27 =	vmul.f32 v42, v9;
	v38 =	vld [tilespmem:s25+$0xA410]  }
.Ltmp0:
0xb1: {  	v22 =	vadd.f32 v23, v22;
	v23 =	vmul.f32 v18, v26;
	v34 =	vmul.f32 v39, v12;
	v18 =	vld [tilespmem:s17+$0xA400];
	(pc) =	sbr.rel @p0 .LBB2_3-.Ltmp0, $4  }
0xb2: {  	v21 =	vmul.f32 v21, v26;
	v39 =	vmul.f32 v30, v43;
	v40 =	vadd.f32 v25, v27;
	v25 =	vld [tilespmem:s19+$0xA400]  }
0xb3: {  	v31 =	vadd.f32 v32, v31;
	v41 =	vadd.f32 v22, v29;
	v27 =	vld [tilespmem:s24+$0xA420];
	v30 =	vmul.f32 v36, v33  }
0xb4: {  	v29 =	vadd.f32 $0.0e+00, v39;
	v34 =	vadd.f32 v34, v40;
	v26 =	vmul.f32 v28, v26;
	v22 =	vld [tilespmem:s17+$0xA430]  }
0xb5: {  	v31 =	vadd.f32 v35, v31;
	v32 =	vadd.f32 v37, v41;
	v33 =	vmul.f32 v38, v33;
	v28 =	vld [tilespmem:s20+$0xA430]  }
0xb6: {  	v30 =	vadd.f32 v30, v34;
	v49 =	vld [tilespmem:s23+$0xA420]  }
0xb7: {  	v35 =	vbroadcast v4, $0x9;
	v36 =	vld [tilespmem:s15+$0xA400];
	v11 =	vadd.f32 v29, v11;
	v50 =	vbroadcast v4, $0xA  }
0xb8: {  	v51 =	vbroadcast v4, $0xB;
	v52 =	vld [tilespmem:s15+$0xA430];
	v24 =	vadd.f32 v24, v32;
	v31 =	vadd.f32 v33, v31  }
0xb9: {  	v53 =	vld [tilespmem:s16+$0xA400];
	v9 =	vmul.f32 v27, v9;
	v11 =	vadd.f32 v11, v14;
	v54 =	vmul.f32 v25, v35  }
0xba: {  	v55 =	vld [tilespmem:s20+$0xA400];
	v23 =	vadd.f32 v23, v30;
	v25 =	vbroadcast v4, $0xD;
	v4 =	vbroadcast v4, $0xE  }
0xbb: {  	v56 =	vld [tilespmem:s22+$0xA430];
	v3 =	vmul.f32 v3, v35;
	v9 =	vadd.f32 v9, v11;
	v57 =	vmul.f32 v49, v12  }
0xbc: {  	v59 =	vld [tilespmem:s22+$0xA400];
	v39 =	vmul.f32 v18, v51;
	v20 =	vadd.f32 v20, v24;
	v22 =	vmul.f32 v22, v51  }
0xbd: {  	v37 =	vld [tilespmem:s20+$0xA410];
	v21 =	vadd.f32 v21, v31;
	v58 =	vmul.f32 v28, v50;
	v9 =	vadd.f32 v57, v9  }
0xbe: {  	v63 =	vld [tilespmem:s20+$0xA420];
	v15 =	vadd.f32 v15, v23;
	v2 =	vmul.f32 v2, v25;
	v20 =	vadd.f32 v26, v20  }
0xbf: {  	v33 =	vld [tilespmem:s19+$0xA410];
	v61 =	vmul.f32 v36, v4;
	v62 =	vmul.f32 v52, v4;
	v5 =	vadd.f32 v5, v9  }
0xc0: {  	v60 =	vld [tilespmem:s19+$0xA420];
	v34 =	vmul.f32 v53, v25;
	v36 =	vmul.f32 v55, v50;
	v7 =	vadd.f32 v7, v21  }
0xc1: {  	v43 =	vld [tilespmem:s22+$0xA420];
	v26 =	vmul.f32 v56, v1;
	v19 =	vadd.f32 v19, v20;
	v5 =	vadd.f32 v17, v5  }
0xc2: {  	v44 =	vmul.f32 v59, v1;
	v46 =	vmul.f32 v37, v50;
	v49 =	vld [tilespmem:s16+$0xA410];
	v13 =	vadd.f32 v13, v15  }
0xc3: {  	v41 =	vld [tilespmem:s17+$0xA410];
	v48 =	vmul.f32 v63, v50;
	v16 =	vadd.f32 v16, v19;
	v5 =	vadd.f32 v10, v5  }
0xc4: {  	v40 =	vld [tilespmem:s17+$0xA420];
	v7 =	vadd.f32 v8, v7;
	v42 =	vadd.f32 v54, v13;
	v9 =	vmul.f32 v33, v35  }
0xc5: {  	v45 =	vld [tilespmem:s22+$0xA410];
	v20 =	vmul.f32 v60, v35;
	v3 =	vadd.f32 v3, v16;
	v5 =	vadd.f32 v6, v5  }
0xc6: {  	v50 =	vld [tilespmem:s15+$0xA420];
	v54 =	vmul.f32 v43, v1;
	v8 =	vadd.f32 v36, v42;
	v7 =	vadd.f32 v9, v7  }
0xc7: {  	v52 =	vld [tilespmem:s15+$0xA410];
	v57 =	vmul.f32 v49, v25;
	v3 =	vadd.f32 v58, v3;
	v5 =	vadd.f32 v20, v5  }
0xc8: {  	v47 =	vld [tilespmem:s16+$0xA420];
	v8 =	vadd.f32 v39, v8;
	v7 =	vadd.f32 v46, v7;
	v10 =	vmul.f32 v41, v51  }
0xc9: {  	v53 =	vld [tilespmem:s21+$0xA400];
	v51 =	vmul.f32 v40, v51;
	v3 =	vadd.f32 v22, v3;
	v5 =	vadd.f32 v48, v5  }
0xca: {  	v38 =	vld [tilespmem:s21+$0xA430];
	v8 =	vadd.f32 v44, v8;
	v7 =	vadd.f32 v10, v7;
	v6 =	vmul.f32 v45, v1  }
0xcb: {  	v55 =	vld [tilespmem:s21+$0xA410];
	v59 =	vmul.f32 v50, v4;
	v3 =	vadd.f32 v26, v3;
	v5 =	vadd.f32 v51, v5  }
0xcc: {  	v56 =	vld [tilespmem:s21+$0xA420];
	v4 =	vmul.f32 v52, v4;
	v8 =	vadd.f32 v34, v8;
	v6 =	vadd.f32 v6, v7  }
0xcd: {  	v58 =	vmul.f32 v47, v25;
	v2 =	vadd.f32 v2, v3;
	v1 =	vadd.f32 v54, v5  }
0xce: {  	v60 =	vadd.f32 v61, v8;
	v6 =	vadd.f32 v57, v6;
	v3 =	vmul.f32 v53, v0  }
0xcf: {  	v16 =	vmul.f32 v38, v0;
	v2 =	vadd.f32 v62, v2;
	v1 =	vadd.f32 v58, v1  }
0xd0: {  	v61 =	vmul.f32 v55, v0;
	v4 =	vadd.f32 v4, v6;
	v3 =	vadd.f32 v3, v60  }
0xd1: {  	v62 =	vmul.f32 v56, v0;
	v2 =	vadd.f32 v16, v2;
	v1 =	vadd.f32 v59, v1  }
0xd2: {  	v63 =	vadd.f32 v61, v4;
	[tilespmem:s14+$0x14800] =	vst v3  }
0xd3: {  	s12 =	sadd.s32 $0x1, s12;
	[tilespmem:s14+$0x14830] =	vst v2;
	v0 =	vadd.f32 v62, v1  }
0xd4: {  	p0 =	sne.s32 s12, $0xC;
	[tilespmem:s14+$0x14810] =	vst v63  }
.Ltmp1:
0xd5: {  	s0 =	sadd.s32 s5, s13;
	[tilespmem:s14+$0x14820] =	vst v0;
	(pc) =	sbr.rel @p0 .LBB2_2-.Ltmp1, $4  }
0xd6: {  	[hbm4b:s0+s2] =	stream.linear.scatter [tilespmem:s10], [sflag:$0x1], $0xA280, $0x38;
	[tilespmem:$0x1EC00] =	vst v63  }
0xd7: {  	_ =	swait.ge [sflag:s8], $0xA280  }
0xd8: {  	[sflag:s8] =	ssyncset.done $0x0  }
0xd9: {  	[sflag:s8] =	ssyncadd.s32 $0xFFFF5D80  }
0xda: {  	s11 =	sadd.s32 $0x1, s11  }
0xdb: {  	p0 =	sne.s32 s11, s7  }
.Ltmp2:
0xdc: {  	_ = 	snop;
	(pc) =	sbr.rel @p0 .LBB2_1-.Ltmp2, $1  }
0xdd: {  	_ =	sdelay $0x3  }
0xde: {  	_ =	sfence.sel $0x180000  }
0xdf: {  	[bflag:$0x0] =	sbarrier.arrive $0xFFFF  }
0xe0: {  	_ =	strace $0x90000047  }
0xe1: {  	[bflag:$0x2] =	sbarrier.arrive $0xFFFF  }
0xe2: {  	p0 =	sne.s32 s3, $0x0;
	s0 =	rddreg [dreg:$0x2]  }
0xe3: {  	s0 =	sadd.s32 @!p0 $0x100000, s0  }
0xe4: {  	[sflag:s0] =	ssyncadd.tile.s32 @!p0 $0x1;
	_ =	shalt  }
.Lfunc_end2:
_tile_overlayer_lowered:
.L_overlay_start_2:
0xe5: {  	(tag) =	ssettag $0x2  }
0xe6: {  	s0 =	rddreg [dreg:$0x0];
	s2 =	stileid.u32  }
0xe7: {  	s1 =	rddreg [dreg:$0x1];
	p0 =	sne.s32 s2, $0x0  }
0xe8: {  	s3 =	rddreg [dreg:$0x2];
	[bflag:$0x3] =	sbarrier.arrive $0xFFFF;
	s2 =	simm.s32 @!p0 $0x1C01  }
0xe9: {  	[timem:s3], [sflag:s2] =	dma.local @!p0 [hbm:s0], s1  }
0xea: {  	s0 =	simm.s32 @!p0 $0x1  }
0xeb: {  	_ =	swait.ge @!p0 [sflag:s0], s1  }
0xec: {  	s1 =	ssub.s32 @!p0 $0x0, s1;
	[sflag:s0] =	ssyncset.done @!p0 $0x0  }
0xed: {  	[sflag:s0] =	ssyncadd.s32 @!p0 s1  }
0xee: {  	[bflag:$0x3] =	sbarrier.arrive $0xFFFF  }
0xef: {  	_ =	shalt  }

</sc_bundles>
